<compile_context>
chip_gen: v7x
topology: tpu7x:2x2x1
jax: 0.10.2.dev20260603
libtpu: 0.0.44.dev20260713+nightly
codegen_flags: <defaults>
</compile_context>

<pallas_src>
import functools

import jax
import jax.numpy as jnp
from jax import lax
from jax.experimental import pallas as pl
from jax.experimental.pallas import tpu as pltpu
from jax.experimental.pallas import tpu_sc as plsc

NC = 2
NS = 16
NW = NC * NS
CHUNK = 80
CNT_W = 16
ROW_BLK = 1000


def _dot_t(a, w):
    return lax.dot_general(a, w, (((1,), (1,)), ((), ())),
                           preferred_element_type=jnp.float32)



def _mm_pre_body(x_ref, wl_ref, wr_ref, b_ref, xl_ref, xrb_ref):
    x = x_ref[...]
    xl_ref[...] = _dot_t(x, wl_ref[...])
    xrb_ref[...] = _dot_t(x, wr_ref[...]) + b_ref[...]


def _mm_pre(x, wl, wr, b, blk):
    n, d = x.shape
    grid = (n // blk,)
    return pl.pallas_call(
        _mm_pre_body,
        grid=grid,
        in_specs=[
            pl.BlockSpec((blk, d), lambda i: (i, 0)),
            pl.BlockSpec((d, d), lambda i: (0, 0)),
            pl.BlockSpec((d, d), lambda i: (0, 0)),
            pl.BlockSpec((1, d), lambda i: (0, 0)),
        ],
        out_specs=[
            pl.BlockSpec((blk, d), lambda i: (i, 0)),
            pl.BlockSpec((blk, d), lambda i: (i, 0)),
        ],
        out_shape=[
            jax.ShapeDtypeStruct((n, d), jnp.float32),
            jax.ShapeDtypeStruct((n, d), jnp.float32),
        ],
    )(x, wl, wr, b.reshape(1, d))


def _mid_body(p_ref, cnt_ref, xrb_ref, wl_ref, wr_ref, b_ref,
              hl_ref, hrb_ref):
    acc = p_ref[0] + p_ref[1]
    cnt = cnt_ref[0, :, 0:1] + cnt_ref[1, :, 0:1]
    h = acc / jnp.maximum(cnt, 1.0) + xrb_ref[...]
    h = jnp.maximum(h, 0.0)
    hl_ref[...] = _dot_t(h, wl_ref[...])
    hrb_ref[...] = _dot_t(h, wr_ref[...]) + b_ref[...]


def _mid(p, cnt, xrb, wl, wr, b, blk):
    n, d = xrb.shape
    grid = (n // blk,)
    return pl.pallas_call(
        _mid_body,
        grid=grid,
        in_specs=[
            pl.BlockSpec((NC, blk, d), lambda i: (0, i, 0)),
            pl.BlockSpec((NC, blk, d), lambda i: (0, i, 0)),
            pl.BlockSpec((blk, d), lambda i: (i, 0)),
            pl.BlockSpec((d, d), lambda i: (0, 0)),
            pl.BlockSpec((d, d), lambda i: (0, 0)),
            pl.BlockSpec((1, d), lambda i: (0, 0)),
        ],
        out_specs=[
            pl.BlockSpec((blk, d), lambda i: (i, 0)),
            pl.BlockSpec((blk, d), lambda i: (i, 0)),
        ],
        out_shape=[
            jax.ShapeDtypeStruct((n, d), jnp.float32),
            jax.ShapeDtypeStruct((n, d), jnp.float32),
        ],
    )(p, cnt, xrb, wl, wr, b.reshape(1, d))


def _final_body(p_ref, cnt_ref, hrb_ref, out_ref):
    acc = p_ref[0] + p_ref[1]
    cnt = cnt_ref[0, :, 0:1] + cnt_ref[1, :, 0:1]
    out_ref[...] = acc / jnp.maximum(cnt, 1.0) + hrb_ref[...]


def _final(p, cnt, hrb, n_out, blk):
    d = hrb.shape[1]
    grid = (n_out // blk,)
    return pl.pallas_call(
        _final_body,
        grid=grid,
        in_specs=[
            pl.BlockSpec((NC, blk, d), lambda i: (0, i, 0)),
            pl.BlockSpec((NC, blk, d), lambda i: (0, i, 0)),
            pl.BlockSpec((blk, d), lambda i: (i, 0)),
        ],
        out_specs=pl.BlockSpec((blk, d), lambda i: (i, 0)),
        out_shape=jax.ShapeDtypeStruct((n_out, d), jnp.float32),
    )(p, cnt, hrb)



def _make_segsum(n, d, nchunk):
    mesh = plsc.VectorSubcoreMesh(core_axis_name="c", subcore_axis_name="s")
    rows_per = n // NS

    assert nchunk % 2 == 1
    per_tile = nchunk * CHUNK

    def body(xl_hbm, src_hbm, dst_hbm, zrow_hbm,
             out_hbm, idx_s, idx_d, rows0, rows1, acc_sh,
             sem0, sem1, sem2, sem3):
        c = lax.axis_index("c")
        s = lax.axis_index("s")
        wid = c * NS + s

        pltpu.sync_copy(src_hbm.at[pl.ds(wid * per_tile, per_tile)], idx_s)
        pltpu.sync_copy(dst_hbm.at[wid], idx_d)
        sl = pl.ds(s * rows_per, rows_per)
        pltpu.sync_copy(zrow_hbm, acc_sh.at[sl])
        plsc.subcore_barrier()

        def gather(j, rows, sem):
            return pltpu.async_copy(
                xl_hbm.at[idx_s.at[pl.ds(j * CHUNK, CHUNK)]], rows, sem)

        def gwait(rows, sem):
            pltpu.make_async_copy(
                xl_hbm.at[idx_s.at[pl.ds(0, CHUNK)]], rows, sem).wait()

        def sstart(j, rows, sem):
            pltpu.async_copy(rows, acc_sh.at[idx_d.at[j]], sem, add=True)

        def swait(j, rows, sem):
            pltpu.make_async_copy(rows, acc_sh.at[idx_d.at[j]], sem).wait()

        gather(0, rows0, sem0)
        gwait(rows0, sem0)
        sstart(0, rows0, sem2)
        gather(1, rows1, sem1)

        def pair(k, carry):
            j = 2 * k + 1
            gwait(rows1, sem1)
            swait(j - 1, rows0, sem2)
            sstart(j, rows1, sem3)
            gather(j + 1, rows0, sem0)
            gwait(rows0, sem0)
            swait(j, rows1, sem3)
            sstart(j + 1, rows0, sem2)
            gather(j + 2, rows1, sem1)
            return carry

        lax.fori_loop(0, (nchunk - 3) // 2, pair, 0)
        gwait(rows1, sem1)
        swait(nchunk - 3, rows0, sem2)
        sstart(nchunk - 2, rows1, sem3)
        gather(nchunk - 1, rows0, sem0)
        gwait(rows0, sem0)
        swait(nchunk - 2, rows1, sem3)
        sstart(nchunk - 1, rows0, sem2)
        swait(nchunk - 1, rows0, sem2)

        plsc.subcore_barrier()
        pltpu.sync_copy(acc_sh.at[sl], out_hbm.at[c, sl])

    return functools.partial(
        pl.kernel, mesh=mesh,
        out_type=[jax.ShapeDtypeStruct((NC, n, d), jnp.float32)],
        scratch_types=[
            pltpu.VMEM((per_tile,), jnp.int32),
            pltpu.VMEM((nchunk, CHUNK), jnp.int32),
            pltpu.VMEM((CHUNK, d), jnp.float32),
            pltpu.VMEM((CHUNK, d), jnp.float32),
            pltpu.VMEM_SHARED((n, d), jnp.float32),
            pltpu.SemaphoreType.DMA,
            pltpu.SemaphoreType.DMA,
            pltpu.SemaphoreType.DMA,
            pltpu.SemaphoreType.DMA,
        ],
    )(body)


def _make_cnt(n, nchunk):
    mesh = plsc.VectorSubcoreMesh(core_axis_name="c", subcore_axis_name="s")
    rows_per = n // NS
    assert nchunk % 2 == 1

    def body(dst_hbm, zcnt_hbm, ones_hbm,
             cnt_hbm, idx_d, ones_v, cnt_sh, sem0, sem1):
        c = lax.axis_index("c")
        s = lax.axis_index("s")
        wid = c * NS + s

        pltpu.sync_copy(dst_hbm.at[wid], idx_d)
        pltpu.sync_copy(ones_hbm, ones_v)
        sl = pl.ds(s * rows_per, rows_per)
        pltpu.sync_copy(zcnt_hbm, cnt_sh.at[sl])
        plsc.subcore_barrier()

        def start(j, sem):
            return pltpu.async_copy(ones_v, cnt_sh.at[idx_d.at[j]], sem,
                                    add=True)

        def wait(j, sem):
            pltpu.make_async_copy(ones_v, cnt_sh.at[idx_d.at[j]], sem).wait()

        start(0, sem0)
        start(1, sem1)

        def pair(k, carry):
            j = 2 * k
            wait(j, sem0)
            start(j + 2, sem0)
            wait(j + 1, sem1)
            start(j + 3, sem1)
            return carry

        lax.fori_loop(0, (nchunk - 3) // 2, pair, 0)
        wait(nchunk - 3, sem0)
        start(nchunk - 1, sem0)
        wait(nchunk - 2, sem1)
        wait(nchunk - 1, sem0)

        plsc.subcore_barrier()
        pltpu.sync_copy(cnt_sh.at[sl], cnt_hbm.at[c, sl])

    return functools.partial(
        pl.kernel, mesh=mesh,
        out_type=[jax.ShapeDtypeStruct((NC, n, 128), jnp.float32)],
        scratch_types=[
            pltpu.VMEM((nchunk, CHUNK), jnp.int32),
            pltpu.VMEM((CHUNK, 128), jnp.float32),
            pltpu.VMEM_SHARED((n, 128), jnp.float32),
            pltpu.SemaphoreType.DMA,
            pltpu.SemaphoreType.DMA,
        ],
    )(body)



def kernel(x, edge_index, W1l, b1, W1r, W2l, b2, W2r):
    n, d = x.shape
    e = edge_index.shape[1]
    assert e % NW == 0 and n % NS == 0
    per_tile = e // NW
    nchunk = -(-per_tile // CHUNK)
    if nchunk % 2 == 0:
        nchunk += 1
    per_tile_pad = nchunk * CHUNK
    pad_e = per_tile_pad - per_tile

    blk = NS * 8
    n_pad = (n + blk - 1) // blk * blk

    ei = edge_index.astype(jnp.int32)
    src_f = jnp.concatenate(
        [ei[0].reshape(NW, per_tile),
         jnp.zeros((NW, pad_e), jnp.int32)], axis=1).reshape(-1)
    dst3 = jnp.concatenate(
        [ei[1].reshape(NW, per_tile),
         jnp.full((NW, pad_e), n, jnp.int32)], axis=1
    ).reshape(NW, nchunk, CHUNK)
    zrow = jnp.zeros((n_pad // NS, d), jnp.float32)
    ones = jnp.ones((CHUNK, 128), jnp.float32)
    x_pad = jnp.pad(x, ((0, n_pad - n), (0, 0)))

    seg = _make_segsum(n_pad, d, nchunk)
    cntk = _make_cnt(n_pad, nchunk)

    blk_tc = n_pad // 16
    (cnt_full,) = cntk(dst3, zrow, ones)
    xl, xrb = _mm_pre(x_pad, W1l, W1r, b1, blk_tc)
    (p1,) = seg(xl, src_f, dst3, zrow)
    hl, hrb = _mid(p1, cnt_full, xrb, W2l, W2r, b2, blk_tc)
    (p2,) = seg(hl, src_f, dst3, zrow)
    return _final(p2, cnt_full, hrb, n, ROW_BLK)

# --- scband reference (transcript-rebuilt; emitter-appended) ---
"""Pipeline reference for scband-minimal-gnn-43860206026957 (READ-ONLY COPY).

The authoritative reference and input builder live on the scoring server;
editing this copy changes nothing except your own understanding.
"""

import jax, jax.numpy as jnp
import numpy as np

N_NODES = 10000
N_EDGES = 320000
IN_DIM = 128
HID_DIM = 128
OUT_DIM = 128


def setup_inputs(seed: int = 0) -> dict:
    key = jax.random.key(seed)
    ks = [jax.random.fold_in(key, i) for i in range(8)]
    x = jax.random.normal(ks[0], (N_NODES, IN_DIM), dtype=jnp.float32)
    edge_index = jax.random.randint(ks[1], (2, N_EDGES), 0, N_NODES, dtype=jnp.int64)
    s1 = 1.0 / np.sqrt(IN_DIM)
    s2 = 1.0 / np.sqrt(HID_DIM)
    W1l = jax.random.normal(ks[2], (HID_DIM, IN_DIM), dtype=jnp.float32) * s1
    W1r = jax.random.normal(ks[3], (HID_DIM, IN_DIM), dtype=jnp.float32) * s1
    b1 = jnp.zeros((HID_DIM,), dtype=jnp.float32)
    W2l = jax.random.normal(ks[4], (OUT_DIM, HID_DIM), dtype=jnp.float32) * s2
    W2r = jax.random.normal(ks[5], (OUT_DIM, HID_DIM), dtype=jnp.float32) * s2
    b2 = jnp.zeros((OUT_DIM,), dtype=jnp.float32)
    return {"x": x, "edge_index": edge_index, "W1l": W1l, "b1": b1, "W1r": W1r, "W2l": W2l, "b2": b2, "W2r": W2r}


def _sage_conv(x, edge_index, Wl, b, Wr):
    # PyG SAGEConv with mean aggregation:
    # out = lin_l(mean_{j in N(i)} x_j) + lin_r(x_i)
    src = edge_index[0]
    dst = edge_index[1]
    n = x.shape[0]
    msg = jnp.take(x, src, axis=0)                       # gather [E, d]
    agg = jax.ops.segment_sum(msg, dst, num_segments=n)  # scatter-add [N, d]
    cnt = jax.ops.segment_sum(jnp.ones((edge_index.shape[1],), dtype=x.dtype), dst, num_segments=n)
    agg = agg / jnp.clip(cnt, 1.0, None)[:, None]        # mean aggregation
    return agg @ Wl.T + b + x @ Wr.T


def reference(x, edge_index, W1l, b1, W1r, W2l, b2, W2r):
    h = _sage_conv(x, edge_index, W1l, b1, W1r)
    h = jax.nn.relu(h)
    out = _sage_conv(h, edge_index, W2l, b2, W2r)
    return out

if __name__ == "__main__":
    import jax
    _d = setup_inputs()
    print(jax.jit(kernel)(*tuple(_d.values())))

</pallas_src>

<mosaic_0001>
#map = affine_map<(d0, d1) -> (0, 0)>
#map1 = affine_map<(d0, d1) -> (0)>
#map2 = affine_map<(d0, d1) -> (0, 0, 0)>
module attributes {stable_mosaic.version = 14 : i64} {
  func.func @body(%arg0: i32, %arg1: i32, %arg2: memref<10112x128xf32, #tpu.memory_space<hbm>>, %arg3: memref<320000xi32, #tpu.memory_space<hbm>>, %arg4: memref<32x125x80xi32, #tpu.memory_space<hbm>>, %arg5: memref<632x128xf32, #tpu.memory_space<hbm>>, %arg6: memref<2x10112x128xf32, #tpu.memory_space<hbm>>, %arg7: memref<10000xi32, #tpu.memory_space<vmem>>, %arg8: memref<125x80xi32, #tpu.memory_space<vmem>>, %arg9: memref<80x128xf32, #tpu.memory_space<vmem>>, %arg10: memref<80x128xf32, #tpu.memory_space<vmem>>, %arg11: memref<10112x128xf32, #tpu.memory_space<vmem_shared>>, %arg12: memref<!tpu.dma_semaphore, #tpu.memory_space<semaphore_mem>>, %arg13: memref<!tpu.dma_semaphore, #tpu.memory_space<semaphore_mem>>, %arg14: memref<!tpu.dma_semaphore, #tpu.memory_space<semaphore_mem>>, %arg15: memref<!tpu.dma_semaphore, #tpu.memory_space<semaphore_mem>>) attributes {dimension_semantics = [#tpu.dimension_semantics<core_parallel>, #tpu.dimension_semantics<subcore_parallel>], iteration_bounds = array<i64: 2, 16>, scalar_prefetch = 0 : i64, scratch_operands = 9 : i64, tpu.core_type = #tpu.core_type<sc_vector_subcore>, window_params = [{transform_indices = #map}, {transform_indices = #map1}, {transform_indices = #map2}, {transform_indices = #map}, {transform_indices = #map2}]} {
    %mul3A = arith.constant 16 : i32
    %mul3A_0 = arith.muli %arg0, %mul3A : i32
    %add3A = arith.addi %mul3A_0, %arg1 : i32
    %mul3A_1 = arith.constant 10000 : i32
    %mul3A_2 = arith.muli %add3A, %mul3A_1 : i32
    "tpu.region"() ({
      %run_scoped3A = tpu.sem_alloc : memref<!tpu.dma_semaphore, #tpu.memory_space<semaphore_mem>>
      %dma_start3A_81 = tpu.memref_slice %arg3[%mul3A_2] : memref<320000xi32, #tpu.memory_space<hbm>> -> memref<10000xi32, #tpu.memory_space<hbm>>
      %dma_start3A_82 = tpu.memref_slice %arg3[%mul3A_2] : memref<320000xi32, #tpu.memory_space<hbm>> -> memref<10000xi32, #tpu.memory_space<hbm>>
      tpu.enqueue_dma source(%dma_start3A_82 : memref<10000xi32, #tpu.memory_space<hbm>>) target(%arg7 : memref<10000xi32, #tpu.memory_space<vmem>>) target_semaphore(%run_scoped3A : memref<!tpu.dma_semaphore, #tpu.memory_space<semaphore_mem>>)
      %dma_wait3A_83 = tpu.memref_slice %arg3[%mul3A_2] : memref<320000xi32, #tpu.memory_space<hbm>> -> memref<10000xi32, #tpu.memory_space<hbm>>
      %dma_wait3A_84 = tpu.memref_slice %arg3[%mul3A_2] : memref<320000xi32, #tpu.memory_space<hbm>> -> memref<10000xi32, #tpu.memory_space<hbm>>
      tpu.wait_dma2 semaphore(%run_scoped3A : memref<!tpu.dma_semaphore, #tpu.memory_space<semaphore_mem>>) src(%dma_wait3A_84 : memref<10000xi32, #tpu.memory_space<hbm>>) dst(%arg7 : memref<10000xi32, #tpu.memory_space<vmem>>)
      tpu.yield
    }) : () -> ()
    "tpu.region"() ({
      %run_scoped3A = tpu.sem_alloc : memref<!tpu.dma_semaphore, #tpu.memory_space<semaphore_mem>>
      %dma_start3A_81 = arith.constant 0 : i32
      %dma_start3A_82 = arith.constant 0 : i32
      %dma_start3A_83 = tpu.memref_slice %arg4[%add3A, %dma_start3A_81, %dma_start3A_82] : memref<32x125x80xi32, #tpu.memory_space<hbm>> -> memref<1x125x80xi32, #tpu.memory_space<hbm>>
      %dma_start3A_84 = tpu.memref_squeeze %dma_start3A_83 : memref<1x125x80xi32, #tpu.memory_space<hbm>> -> memref<125x80xi32, #tpu.memory_space<hbm>>
      %dma_start3A_85 = arith.constant 0 : i32
      %dma_start3A_86 = arith.constant 0 : i32
      %dma_start3A_87 = tpu.memref_slice %arg4[%add3A, %dma_start3A_85, %dma_start3A_86] : memref<32x125x80xi32, #tpu.memory_space<hbm>> -> memref<1x125x80xi32, #tpu.memory_space<hbm>>
      %dma_start3A_88 = tpu.memref_squeeze %dma_start3A_87 : memref<1x125x80xi32, #tpu.memory_space<hbm>> -> memref<125x80xi32, #tpu.memory_space<hbm>>
      tpu.enqueue_dma source(%dma_start3A_88 : memref<125x80xi32, #tpu.memory_space<hbm>>) target(%arg8 : memref<125x80xi32, #tpu.memory_space<vmem>>) target_semaphore(%run_scoped3A : memref<!tpu.dma_semaphore, #tpu.memory_space<semaphore_mem>>)
      %dma_wait3A_89 = arith.constant 0 : i32
      %dma_wait3A_90 = arith.constant 0 : i32
      %dma_wait3A_91 = tpu.memref_slice %arg4[%add3A, %dma_wait3A_89, %dma_wait3A_90] : memref<32x125x80xi32, #tpu.memory_space<hbm>> -> memref<1x125x80xi32, #tpu.memory_space<hbm>>
      %dma_wait3A_92 = tpu.memref_squeeze %dma_wait3A_91 : memref<1x125x80xi32, #tpu.memory_space<hbm>> -> memref<125x80xi32, #tpu.memory_space<hbm>>
      %dma_wait3A_93 = arith.constant 0 : i32
      %dma_wait3A_94 = arith.constant 0 : i32
      %dma_wait3A_95 = tpu.memref_slice %arg4[%add3A, %dma_wait3A_93, %dma_wait3A_94] : memref<32x125x80xi32, #tpu.memory_space<hbm>> -> memref<1x125x80xi32, #tpu.memory_space<hbm>>
      %dma_wait3A_96 = tpu.memref_squeeze %dma_wait3A_95 : memref<1x125x80xi32, #tpu.memory_space<hbm>> -> memref<125x80xi32, #tpu.memory_space<hbm>>
      tpu.wait_dma2 semaphore(%run_scoped3A : memref<!tpu.dma_semaphore, #tpu.memory_space<semaphore_mem>>) src(%dma_wait3A_96 : memref<125x80xi32, #tpu.memory_space<hbm>>) dst(%arg8 : memref<125x80xi32, #tpu.memory_space<vmem>>)
      tpu.yield
    }) : () -> ()
    %mul3A_3 = arith.constant 632 : i32
    %mul3A_4 = arith.muli %arg1, %mul3A_3 : i32
    "tpu.region"() ({
      %run_scoped3A = tpu.sem_alloc : memref<!tpu.dma_semaphore, #tpu.memory_space<semaphore_mem>>
      %dma_start3A_81 = arith.constant 0 : i32
      %dma_start3A_82 = tpu.memref_slice %arg11[%mul3A_4, %dma_start3A_81] : memref<10112x128xf32, #tpu.memory_space<vmem_shared>> -> memref<632x128xf32, #tpu.memory_space<vmem_shared>>
      tpu.enqueue_dma source(%arg5 : memref<632x128xf32, #tpu.memory_space<hbm>>) target(%dma_start3A_82 : memref<632x128xf32, #tpu.memory_space<vmem_shared>>) target_semaphore(%run_scoped3A : memref<!tpu.dma_semaphore, #tpu.memory_space<semaphore_mem>>)
      %dma_wait3A_83 = arith.constant 0 : i32
      %dma_wait3A_84 = tpu.memref_slice %arg11[%mul3A_4, %dma_wait3A_83] : memref<10112x128xf32, #tpu.memory_space<vmem_shared>> -> memref<632x128xf32, #tpu.memory_space<vmem_shared>>
      tpu.wait_dma2 semaphore(%run_scoped3A : memref<!tpu.dma_semaphore, #tpu.memory_space<semaphore_mem>>) src(%arg5 : memref<632x128xf32, #tpu.memory_space<hbm>>) dst(%dma_wait3A_84 : memref<632x128xf32, #tpu.memory_space<vmem_shared>>)
      tpu.yield
    }) : () -> ()
    %barrier3A = arith.constant 0 : index
    tpu.barrier barrier_id(%barrier3A)
    %dma_start3A = arith.constant 0 : i32
    %dma_start3A_5 = tpu.memref_slice %arg7[%dma_start3A] : memref<10000xi32, #tpu.memory_space<vmem>> -> memref<80xi32, #tpu.memory_space<vmem>>
    %dma_start3A_6 = arith.constant 0 : i32
    %dma_start3A_7 = arith.constant 0 : i32
    %dma_start3A_8 = tpu.memref_slice %arg2[%dma_start3A_6, %dma_start3A_7] : memref<10112x128xf32, #tpu.memory_space<hbm>> -> memref<10112x128xf32, #tpu.memory_space<hbm>>
    tpu.enqueue_indirect_dma source(%dma_start3A_8 : memref<10112x128xf32, #tpu.memory_space<hbm>>) target(%arg9 : memref<80x128xf32, #tpu.memory_space<vmem>>) offsets(%dma_start3A_5 : memref<80xi32, #tpu.memory_space<vmem>>) semaphore(%arg12 : memref<!tpu.dma_semaphore, #tpu.memory_space<semaphore_mem>>)
    %dma_wait3A = arith.constant 0 : i32
    %dma_wait3A_9 = tpu.memref_slice %arg7[%dma_wait3A] : memref<10000xi32, #tpu.memory_space<vmem>> -> memref<80xi32, #tpu.memory_space<vmem>>
    %dma_wait3A_10 = arith.constant 0 : i32
    %dma_wait3A_11 = arith.constant 0 : i32
    %dma_wait3A_12 = tpu.memref_slice %arg2[%dma_wait3A_10, %dma_wait3A_11] : memref<10112x128xf32, #tpu.memory_space<hbm>> -> memref<10112x128xf32, #tpu.memory_space<hbm>>
    tpu.wait_indirect_dma semaphore(%arg12 : memref<!tpu.dma_semaphore, #tpu.memory_space<semaphore_mem>>) src(%dma_wait3A_12 : memref<10112x128xf32, #tpu.memory_space<hbm>>) dst(%arg9 : memref<80x128xf32, #tpu.memory_space<vmem>>)
    %dma_start3A_13 = arith.constant 0 : i32
    %dma_start3A_14 = arith.constant 0 : i32
    %dma_start3A_15 = tpu.memref_slice %arg8[%dma_start3A_13, %dma_start3A_14] : memref<125x80xi32, #tpu.memory_space<vmem>> -> memref<1x80xi32, #tpu.memory_space<vmem>>
    %dma_start3A_16 = tpu.memref_squeeze %dma_start3A_15 : memref<1x80xi32, #tpu.memory_space<vmem>> -> memref<80xi32, #tpu.memory_space<vmem>>
    %dma_start3A_17 = arith.constant 0 : i32
    %dma_start3A_18 = arith.constant 0 : i32
    %dma_start3A_19 = tpu.memref_slice %arg11[%dma_start3A_17, %dma_start3A_18] : memref<10112x128xf32, #tpu.memory_space<vmem_shared>> -> memref<10112x128xf32, #tpu.memory_space<vmem_shared>>
    tpu.enqueue_indirect_dma source(%arg9 : memref<80x128xf32, #tpu.memory_space<vmem>>) target(%dma_start3A_19 : memref<10112x128xf32, #tpu.memory_space<vmem_shared>>) offsets(%dma_start3A_16 : memref<80xi32, #tpu.memory_space<vmem>>) semaphore(%arg14 : memref<!tpu.dma_semaphore, #tpu.memory_space<semaphore_mem>>) {add = true}
    %dma_start3A_20 = arith.constant 80 : i32
    %dma_start3A_21 = tpu.memref_slice %arg7[%dma_start3A_20] : memref<10000xi32, #tpu.memory_space<vmem>> -> memref<80xi32, #tpu.memory_space<vmem>>
    %dma_start3A_22 = arith.constant 0 : i32
    %dma_start3A_23 = arith.constant 0 : i32
    %dma_start3A_24 = tpu.memref_slice %arg2[%dma_start3A_22, %dma_start3A_23] : memref<10112x128xf32, #tpu.memory_space<hbm>> -> memref<10112x128xf32, #tpu.memory_space<hbm>>
    tpu.enqueue_indirect_dma source(%dma_start3A_24 : memref<10112x128xf32, #tpu.memory_space<hbm>>) target(%arg10 : memref<80x128xf32, #tpu.memory_space<vmem>>) offsets(%dma_start3A_21 : memref<80xi32, #tpu.memory_space<vmem>>) semaphore(%arg13 : memref<!tpu.dma_semaphore, #tpu.memory_space<semaphore_mem>>)
    %scan3A = arith.constant 0 : i32
    %scan3A_25 = arith.constant 0 : i32
    %scan3A_26 = arith.constant 61 : i32
    %scan3A_27 = arith.addi %scan3A_25, %scan3A_26 : i32
    %scan3A_28 = arith.constant 1 : i32
    scf.for %scan3A_81 = %scan3A_25 to %scan3A_27 step %scan3A_28  : i32 {
      %mul3A_82 = arith.constant 2 : i32
      %mul3A_83 = arith.muli %mul3A_82, %scan3A_81 : i32
      %add3A_84 = arith.constant 1 : i32
      %add3A_85 = arith.addi %mul3A_83, %add3A_84 : i32
      %dma_wait3A_86 = arith.constant 0 : i32
      %dma_wait3A_87 = tpu.memref_slice %arg7[%dma_wait3A_86] : memref<10000xi32, #tpu.memory_space<vmem>> -> memref<80xi32, #tpu.memory_space<vmem>>
      %dma_wait3A_88 = arith.constant 0 : i32
      %dma_wait3A_89 = arith.constant 0 : i32
      %dma_wait3A_90 = tpu.memref_slice %arg2[%dma_wait3A_88, %dma_wait3A_89] : memref<10112x128xf32, #tpu.memory_space<hbm>> -> memref<10112x128xf32, #tpu.memory_space<hbm>>
      tpu.wait_indirect_dma semaphore(%arg13 : memref<!tpu.dma_semaphore, #tpu.memory_space<semaphore_mem>>) src(%dma_wait3A_90 : memref<10112x128xf32, #tpu.memory_space<hbm>>) dst(%arg10 : memref<80x128xf32, #tpu.memory_space<vmem>>)
      %sub3A = arith.constant 1 : i32
      %sub3A_91 = arith.subi %add3A_85, %sub3A : i32
      %dma_wait3A_92 = arith.constant 0 : i32
      %dma_wait3A_93 = tpu.memref_slice %arg8[%sub3A_91, %dma_wait3A_92] : memref<125x80xi32, #tpu.memory_space<vmem>> -> memref<1x80xi32, #tpu.memory_space<vmem>>
      %dma_wait3A_94 = tpu.memref_squeeze %dma_wait3A_93 : memref<1x80xi32, #tpu.memory_space<vmem>> -> memref<80xi32, #tpu.memory_space<vmem>>
      %dma_wait3A_95 = arith.constant 0 : i32
      %dma_wait3A_96 = arith.constant 0 : i32
      %dma_wait3A_97 = tpu.memref_slice %arg11[%dma_wait3A_95, %dma_wait3A_96] : memref<10112x128xf32, #tpu.memory_space<vmem_shared>> -> memref<10112x128xf32, #tpu.memory_space<vmem_shared>>
      tpu.wait_indirect_dma semaphore(%arg14 : memref<!tpu.dma_semaphore, #tpu.memory_space<semaphore_mem>>) src(%arg9 : memref<80x128xf32, #tpu.memory_space<vmem>>) dst(%dma_wait3A_97 : memref<10112x128xf32, #tpu.memory_space<vmem_shared>>)
      %dma_start3A_98 = arith.constant 0 : i32
      %dma_start3A_99 = tpu.memref_slice %arg8[%add3A_85, %dma_start3A_98] : memref<125x80xi32, #tpu.memory_space<vmem>> -> memref<1x80xi32, #tpu.memory_space<vmem>>
      %dma_start3A_100 = tpu.memref_squeeze %dma_start3A_99 : memref<1x80xi32, #tpu.memory_space<vmem>> -> memref<80xi32, #tpu.memory_space<vmem>>
      %dma_start3A_101 = arith.constant 0 : i32
      %dma_start3A_102 = arith.constant 0 : i32
      %dma_start3A_103 = tpu.memref_slice %arg11[%dma_start3A_101, %dma_start3A_102] : memref<10112x128xf32, #tpu.memory_space<vmem_shared>> -> memref<10112x128xf32, #tpu.memory_space<vmem_shared>>
      tpu.enqueue_indirect_dma source(%arg10 : memref<80x128xf32, #tpu.memory_space<vmem>>) target(%dma_start3A_103 : memref<10112x128xf32, #tpu.memory_space<vmem_shared>>) offsets(%dma_start3A_100 : memref<80xi32, #tpu.memory_space<vmem>>) semaphore(%arg15 : memref<!tpu.dma_semaphore, #tpu.memory_space<semaphore_mem>>) {add = true}
      %add3A_104 = arith.constant 1 : i32
      %add3A_105 = arith.addi %add3A_85, %add3A_104 : i32
      %mul3A_106 = arith.constant 80 : i32
      %mul3A_107 = arith.muli %add3A_105, %mul3A_106 : i32
      %dma_start3A_108 = tpu.memref_slice %arg7[%mul3A_107] : memref<10000xi32, #tpu.memory_space<vmem>> -> memref<80xi32, #tpu.memory_space<vmem>>
      %dma_start3A_109 = arith.constant 0 : i32
      %dma_start3A_110 = arith.constant 0 : i32
      %dma_start3A_111 = tpu.memref_slice %arg2[%dma_start3A_109, %dma_start3A_110] : memref<10112x128xf32, #tpu.memory_space<hbm>> -> memref<10112x128xf32, #tpu.memory_space<hbm>>
      tpu.enqueue_indirect_dma source(%dma_start3A_111 : memref<10112x128xf32, #tpu.memory_space<hbm>>) target(%arg9 : memref<80x128xf32, #tpu.memory_space<vmem>>) offsets(%dma_start3A_108 : memref<80xi32, #tpu.memory_space<vmem>>) semaphore(%arg12 : memref<!tpu.dma_semaphore, #tpu.memory_space<semaphore_mem>>)
      %dma_wait3A_112 = arith.constant 0 : i32
      %dma_wait3A_113 = tpu.memref_slice %arg7[%dma_wait3A_112] : memref<10000xi32, #tpu.memory_space<vmem>> -> memref<80xi32, #tpu.memory_space<vmem>>
      %dma_wait3A_114 = arith.constant 0 : i32
      %dma_wait3A_115 = arith.constant 0 : i32
      %dma_wait3A_116 = tpu.memref_slice %arg2[%dma_wait3A_114, %dma_wait3A_115] : memref<10112x128xf32, #tpu.memory_space<hbm>> -> memref<10112x128xf32, #tpu.memory_space<hbm>>
      tpu.wait_indirect_dma semaphore(%arg12 : memref<!tpu.dma_semaphore, #tpu.memory_space<semaphore_mem>>) src(%dma_wait3A_116 : memref<10112x128xf32, #tpu.memory_space<hbm>>) dst(%arg9 : memref<80x128xf32, #tpu.memory_space<vmem>>)
      %dma_wait3A_117 = arith.constant 0 : i32
      %dma_wait3A_118 = tpu.memref_slice %arg8[%add3A_85, %dma_wait3A_117] : memref<125x80xi32, #tpu.memory_space<vmem>> -> memref<1x80xi32, #tpu.memory_space<vmem>>
      %dma_wait3A_119 = tpu.memref_squeeze %dma_wait3A_118 : memref<1x80xi32, #tpu.memory_space<vmem>> -> memref<80xi32, #tpu.memory_space<vmem>>
      %dma_wait3A_120 = arith.constant 0 : i32
      %dma_wait3A_121 = arith.constant 0 : i32
      %dma_wait3A_122 = tpu.memref_slice %arg11[%dma_wait3A_120, %dma_wait3A_121] : memref<10112x128xf32, #tpu.memory_space<vmem_shared>> -> memref<10112x128xf32, #tpu.memory_space<vmem_shared>>
      tpu.wait_indirect_dma semaphore(%arg15 : memref<!tpu.dma_semaphore, #tpu.memory_space<semaphore_mem>>) src(%arg10 : memref<80x128xf32, #tpu.memory_space<vmem>>) dst(%dma_wait3A_122 : memref<10112x128xf32, #tpu.memory_space<vmem_shared>>)
      %add3A_123 = arith.constant 1 : i32
      %add3A_124 = arith.addi %add3A_85, %add3A_123 : i32
      %dma_start3A_125 = arith.constant 0 : i32
      %dma_start3A_126 = tpu.memref_slice %arg8[%add3A_124, %dma_start3A_125] : memref<125x80xi32, #tpu.memory_space<vmem>> -> memref<1x80xi32, #tpu.memory_space<vmem>>
      %dma_start3A_127 = tpu.memref_squeeze %dma_start3A_126 : memref<1x80xi32, #tpu.memory_space<vmem>> -> memref<80xi32, #tpu.memory_space<vmem>>
      %dma_start3A_128 = arith.constant 0 : i32
      %dma_start3A_129 = arith.constant 0 : i32
      %dma_start3A_130 = tpu.memref_slice %arg11[%dma_start3A_128, %dma_start3A_129] : memref<10112x128xf32, #tpu.memory_space<vmem_shared>> -> memref<10112x128xf32, #tpu.memory_space<vmem_shared>>
      tpu.enqueue_indirect_dma source(%arg9 : memref<80x128xf32, #tpu.memory_space<vmem>>) target(%dma_start3A_130 : memref<10112x128xf32, #tpu.memory_space<vmem_shared>>) offsets(%dma_start3A_127 : memref<80xi32, #tpu.memory_space<vmem>>) semaphore(%arg14 : memref<!tpu.dma_semaphore, #tpu.memory_space<semaphore_mem>>) {add = true}
      %add3A_131 = arith.constant 2 : i32
      %add3A_132 = arith.addi %add3A_85, %add3A_131 : i32
      %mul3A_133 = arith.constant 80 : i32
      %mul3A_134 = arith.muli %add3A_132, %mul3A_133 : i32
      %dma_start3A_135 = tpu.memref_slice %arg7[%mul3A_134] : memref<10000xi32, #tpu.memory_space<vmem>> -> memref<80xi32, #tpu.memory_space<vmem>>
      %dma_start3A_136 = arith.constant 0 : i32
      %dma_start3A_137 = arith.constant 0 : i32
      %dma_start3A_138 = tpu.memref_slice %arg2[%dma_start3A_136, %dma_start3A_137] : memref<10112x128xf32, #tpu.memory_space<hbm>> -> memref<10112x128xf32, #tpu.memory_space<hbm>>
      tpu.enqueue_indirect_dma source(%dma_start3A_138 : memref<10112x128xf32, #tpu.memory_space<hbm>>) target(%arg10 : memref<80x128xf32, #tpu.memory_space<vmem>>) offsets(%dma_start3A_135 : memref<80xi32, #tpu.memory_space<vmem>>) semaphore(%arg13 : memref<!tpu.dma_semaphore, #tpu.memory_space<semaphore_mem>>)
    }
    %scan3A_29 = arith.constant 61 : i32
    %dma_wait3A_30 = arith.constant 0 : i32
    %dma_wait3A_31 = tpu.memref_slice %arg7[%dma_wait3A_30] : memref<10000xi32, #tpu.memory_space<vmem>> -> memref<80xi32, #tpu.memory_space<vmem>>
    %dma_wait3A_32 = arith.constant 0 : i32
    %dma_wait3A_33 = arith.constant 0 : i32
    %dma_wait3A_34 = tpu.memref_slice %arg2[%dma_wait3A_32, %dma_wait3A_33] : memref<10112x128xf32, #tpu.memory_space<hbm>> -> memref<10112x128xf32, #tpu.memory_space<hbm>>
    tpu.wait_indirect_dma semaphore(%arg13 : memref<!tpu.dma_semaphore, #tpu.memory_space<semaphore_mem>>) src(%dma_wait3A_34 : memref<10112x128xf32, #tpu.memory_space<hbm>>) dst(%arg10 : memref<80x128xf32, #tpu.memory_space<vmem>>)
    %dma_wait3A_35 = arith.constant 122 : i32
    %dma_wait3A_36 = arith.constant 0 : i32
    %dma_wait3A_37 = tpu.memref_slice %arg8[%dma_wait3A_35, %dma_wait3A_36] : memref<125x80xi32, #tpu.memory_space<vmem>> -> memref<1x80xi32, #tpu.memory_space<vmem>>
    %dma_wait3A_38 = tpu.memref_squeeze %dma_wait3A_37 : memref<1x80xi32, #tpu.memory_space<vmem>> -> memref<80xi32, #tpu.memory_space<vmem>>
    %dma_wait3A_39 = arith.constant 0 : i32
    %dma_wait3A_40 = arith.constant 0 : i32
    %dma_wait3A_41 = tpu.memref_slice %arg11[%dma_wait3A_39, %dma_wait3A_40] : memref<10112x128xf32, #tpu.memory_space<vmem_shared>> -> memref<10112x128xf32, #tpu.memory_space<vmem_shared>>
    tpu.wait_indirect_dma semaphore(%arg14 : memref<!tpu.dma_semaphore, #tpu.memory_space<semaphore_mem>>) src(%arg9 : memref<80x128xf32, #tpu.memory_space<vmem>>) dst(%dma_wait3A_41 : memref<10112x128xf32, #tpu.memory_space<vmem_shared>>)
    %dma_start3A_42 = arith.constant 123 : i32
    %dma_start3A_43 = arith.constant 0 : i32
    %dma_start3A_44 = tpu.memref_slice %arg8[%dma_start3A_42, %dma_start3A_43] : memref<125x80xi32, #tpu.memory_space<vmem>> -> memref<1x80xi32, #tpu.memory_space<vmem>>
    %dma_start3A_45 = tpu.memref_squeeze %dma_start3A_44 : memref<1x80xi32, #tpu.memory_space<vmem>> -> memref<80xi32, #tpu.memory_space<vmem>>
    %dma_start3A_46 = arith.constant 0 : i32
    %dma_start3A_47 = arith.constant 0 : i32
    %dma_start3A_48 = tpu.memref_slice %arg11[%dma_start3A_46, %dma_start3A_47] : memref<10112x128xf32, #tpu.memory_space<vmem_shared>> -> memref<10112x128xf32, #tpu.memory_space<vmem_shared>>
    tpu.enqueue_indirect_dma source(%arg10 : memref<80x128xf32, #tpu.memory_space<vmem>>) target(%dma_start3A_48 : memref<10112x128xf32, #tpu.memory_space<vmem_shared>>) offsets(%dma_start3A_45 : memref<80xi32, #tpu.memory_space<vmem>>) semaphore(%arg15 : memref<!tpu.dma_semaphore, #tpu.memory_space<semaphore_mem>>) {add = true}
    %dma_start3A_49 = arith.constant 9920 : i32
    %dma_start3A_50 = tpu.memref_slice %arg7[%dma_start3A_49] : memref<10000xi32, #tpu.memory_space<vmem>> -> memref<80xi32, #tpu.memory_space<vmem>>
    %dma_start3A_51 = arith.constant 0 : i32
    %dma_start3A_52 = arith.constant 0 : i32
    %dma_start3A_53 = tpu.memref_slice %arg2[%dma_start3A_51, %dma_start3A_52] : memref<10112x128xf32, #tpu.memory_space<hbm>> -> memref<10112x128xf32, #tpu.memory_space<hbm>>
    tpu.enqueue_indirect_dma source(%dma_start3A_53 : memref<10112x128xf32, #tpu.memory_space<hbm>>) target(%arg9 : memref<80x128xf32, #tpu.memory_space<vmem>>) offsets(%dma_start3A_50 : memref<80xi32, #tpu.memory_space<vmem>>) semaphore(%arg12 : memref<!tpu.dma_semaphore, #tpu.memory_space<semaphore_mem>>)
    %dma_wait3A_54 = arith.constant 0 : i32
    %dma_wait3A_55 = tpu.memref_slice %arg7[%dma_wait3A_54] : memref<10000xi32, #tpu.memory_space<vmem>> -> memref<80xi32, #tpu.memory_space<vmem>>
    %dma_wait3A_56 = arith.constant 0 : i32
    %dma_wait3A_57 = arith.constant 0 : i32
    %dma_wait3A_58 = tpu.memref_slice %arg2[%dma_wait3A_56, %dma_wait3A_57] : memref<10112x128xf32, #tpu.memory_space<hbm>> -> memref<10112x128xf32, #tpu.memory_space<hbm>>
    tpu.wait_indirect_dma semaphore(%arg12 : memref<!tpu.dma_semaphore, #tpu.memory_space<semaphore_mem>>) src(%dma_wait3A_58 : memref<10112x128xf32, #tpu.memory_space<hbm>>) dst(%arg9 : memref<80x128xf32, #tpu.memory_space<vmem>>)
    %dma_wait3A_59 = arith.constant 123 : i32
    %dma_wait3A_60 = arith.constant 0 : i32
    %dma_wait3A_61 = tpu.memref_slice %arg8[%dma_wait3A_59, %dma_wait3A_60] : memref<125x80xi32, #tpu.memory_space<vmem>> -> memref<1x80xi32, #tpu.memory_space<vmem>>
    %dma_wait3A_62 = tpu.memref_squeeze %dma_wait3A_61 : memref<1x80xi32, #tpu.memory_space<vmem>> -> memref<80xi32, #tpu.memory_space<vmem>>
    %dma_wait3A_63 = arith.constant 0 : i32
    %dma_wait3A_64 = arith.constant 0 : i32
    %dma_wait3A_65 = tpu.memref_slice %arg11[%dma_wait3A_63, %dma_wait3A_64] : memref<10112x128xf32, #tpu.memory_space<vmem_shared>> -> memref<10112x128xf32, #tpu.memory_space<vmem_shared>>
    tpu.wait_indirect_dma semaphore(%arg15 : memref<!tpu.dma_semaphore, #tpu.memory_space<semaphore_mem>>) src(%arg10 : memref<80x128xf32, #tpu.memory_space<vmem>>) dst(%dma_wait3A_65 : memref<10112x128xf32, #tpu.memory_space<vmem_shared>>)
    %dma_start3A_66 = arith.constant 124 : i32
    %dma_start3A_67 = arith.constant 0 : i32
    %dma_start3A_68 = tpu.memref_slice %arg8[%dma_start3A_66, %dma_start3A_67] : memref<125x80xi32, #tpu.memory_space<vmem>> -> memref<1x80xi32, #tpu.memory_space<vmem>>
    %dma_start3A_69 = tpu.memref_squeeze %dma_start3A_68 : memref<1x80xi32, #tpu.memory_space<vmem>> -> memref<80xi32, #tpu.memory_space<vmem>>
    %dma_start3A_70 = arith.constant 0 : i32
    %dma_start3A_71 = arith.constant 0 : i32
    %dma_start3A_72 = tpu.memref_slice %arg11[%dma_start3A_70, %dma_start3A_71] : memref<10112x128xf32, #tpu.memory_space<vmem_shared>> -> memref<10112x128xf32, #tpu.memory_space<vmem_shared>>
    tpu.enqueue_indirect_dma source(%arg9 : memref<80x128xf32, #tpu.memory_space<vmem>>) target(%dma_start3A_72 : memref<10112x128xf32, #tpu.memory_space<vmem_shared>>) offsets(%dma_start3A_69 : memref<80xi32, #tpu.memory_space<vmem>>) semaphore(%arg14 : memref<!tpu.dma_semaphore, #tpu.memory_space<semaphore_mem>>) {add = true}
    %dma_wait3A_73 = arith.constant 124 : i32
    %dma_wait3A_74 = arith.constant 0 : i32
    %dma_wait3A_75 = tpu.memref_slice %arg8[%dma_wait3A_73, %dma_wait3A_74] : memref<125x80xi32, #tpu.memory_space<vmem>> -> memref<1x80xi32, #tpu.memory_space<vmem>>
    %dma_wait3A_76 = tpu.memref_squeeze %dma_wait3A_75 : memref<1x80xi32, #tpu.memory_space<vmem>> -> memref<80xi32, #tpu.memory_space<vmem>>
    %dma_wait3A_77 = arith.constant 0 : i32
    %dma_wait3A_78 = arith.constant 0 : i32
    %dma_wait3A_79 = tpu.memref_slice %arg11[%dma_wait3A_77, %dma_wait3A_78] : memref<10112x128xf32, #tpu.memory_space<vmem_shared>> -> memref<10112x128xf32, #tpu.memory_space<vmem_shared>>
    tpu.wait_indirect_dma semaphore(%arg14 : memref<!tpu.dma_semaphore, #tpu.memory_space<semaphore_mem>>) src(%arg9 : memref<80x128xf32, #tpu.memory_space<vmem>>) dst(%dma_wait3A_79 : memref<10112x128xf32, #tpu.memory_space<vmem_shared>>)
    %barrier3A_80 = arith.constant 0 : index
    tpu.barrier barrier_id(%barrier3A_80)
    "tpu.region"() ({
      %run_scoped3A = tpu.sem_alloc : memref<!tpu.dma_semaphore, #tpu.memory_space<semaphore_mem>>
      %dma_start3A_81 = arith.constant 0 : i32
      %dma_start3A_82 = tpu.memref_slice %arg6[%arg0, %mul3A_4, %dma_start3A_81] : memref<2x10112x128xf32, #tpu.memory_space<hbm>> -> memref<1x632x128xf32, #tpu.memory_space<hbm>>
      %dma_start3A_83 = tpu.memref_squeeze %dma_start3A_82 : memref<1x632x128xf32, #tpu.memory_space<hbm>> -> memref<632x128xf32, #tpu.memory_space<hbm>>
      %dma_start3A_84 = arith.constant 0 : i32
      %dma_start3A_85 = tpu.memref_slice %arg11[%mul3A_4, %dma_start3A_84] : memref<10112x128xf32, #tpu.memory_space<vmem_shared>> -> memref<632x128xf32, #tpu.memory_space<vmem_shared>>
      tpu.enqueue_dma source(%dma_start3A_85 : memref<632x128xf32, #tpu.memory_space<vmem_shared>>) target(%dma_start3A_83 : memref<632x128xf32, #tpu.memory_space<hbm>>) target_semaphore(%run_scoped3A : memref<!tpu.dma_semaphore, #tpu.memory_space<semaphore_mem>>)
      %dma_wait3A_86 = arith.constant 0 : i32
      %dma_wait3A_87 = tpu.memref_slice %arg6[%arg0, %mul3A_4, %dma_wait3A_86] : memref<2x10112x128xf32, #tpu.memory_space<hbm>> -> memref<1x632x128xf32, #tpu.memory_space<hbm>>
      %dma_wait3A_88 = tpu.memref_squeeze %dma_wait3A_87 : memref<1x632x128xf32, #tpu.memory_space<hbm>> -> memref<632x128xf32, #tpu.memory_space<hbm>>
      %dma_wait3A_89 = arith.constant 0 : i32
      %dma_wait3A_90 = tpu.memref_slice %arg11[%mul3A_4, %dma_wait3A_89] : memref<10112x128xf32, #tpu.memory_space<vmem_shared>> -> memref<632x128xf32, #tpu.memory_space<vmem_shared>>
      tpu.wait_dma2 semaphore(%run_scoped3A : memref<!tpu.dma_semaphore, #tpu.memory_space<semaphore_mem>>) src(%dma_wait3A_90 : memref<632x128xf32, #tpu.memory_space<vmem_shared>>) dst(%dma_wait3A_88 : memref<632x128xf32, #tpu.memory_space<hbm>>)
      tpu.yield
    }) : () -> ()
    return
  }
}

#map = affine_map<(d0, d1) -> (0, 0)>
#map1 = affine_map<(d0, d1) -> (0)>
#map2 = affine_map<(d0, d1) -> (0, 0, 0)>
module attributes {stable_mosaic.version = 14 : i64} {
  func.func @body(%arg0: i32, %arg1: i32, %arg2: memref<10112x128xf32, #tpu.memory_space<hbm>>, %arg3: memref<320000xi32, #tpu.memory_space<hbm>>, %arg4: memref<32x125x80xi32, #tpu.memory_space<hbm>>, %arg5: memref<632x128xf32, #tpu.memory_space<hbm>>, %arg6: memref<2x10112x128xf32, #tpu.memory_space<hbm>>, %arg7: memref<10000xi32, #tpu.memory_space<vmem>>, %arg8: memref<125x80xi32, #tpu.memory_space<vmem>>, %arg9: memref<80x128xf32, #tpu.memory_space<vmem>>, %arg10: memref<80x128xf32, #tpu.memory_space<vmem>>, %arg11: memref<10112x128xf32, #tpu.memory_space<vmem_shared>>, %arg12: memref<!tpu.dma_semaphore, #tpu.memory_space<semaphore_mem>>, %arg13: memref<!tpu.dma_semaphore, #tpu.memory_space<semaphore_mem>>, %arg14: memref<!tpu.dma_semaphore, #tpu.memory_space<semaphore_mem>>, %arg15: memref<!tpu.dma_semaphore, #tpu.memory_space<semaphore_mem>>) attributes {dimension_semantics = [#tpu.dimension_semantics<core_parallel>, #tpu.dimension_semantics<subcore_parallel>], iteration_bounds = array<i64: 2, 16>, scalar_prefetch = 0 : i64, scratch_operands = 9 : i64, tpu.core_type = #tpu.core_type<sc_vector_subcore>, window_params = [{transform_indices = #map}, {transform_indices = #map1}, {transform_indices = #map2}, {transform_indices = #map}, {transform_indices = #map2}]} {
    %mul3A = arith.constant 16 : i32
    %mul3A_0 = arith.muli %arg0, %mul3A : i32
    %add3A = arith.addi %mul3A_0, %arg1 : i32
    %mul3A_1 = arith.constant 10000 : i32
    %mul3A_2 = arith.muli %add3A, %mul3A_1 : i32
    "tpu.region"() ({
      %run_scoped3A = tpu.sem_alloc : memref<!tpu.dma_semaphore, #tpu.memory_space<semaphore_mem>>
      %dma_start3A_81 = tpu.memref_slice %arg3[%mul3A_2] : memref<320000xi32, #tpu.memory_space<hbm>> -> memref<10000xi32, #tpu.memory_space<hbm>>
      %dma_start3A_82 = tpu.memref_slice %arg3[%mul3A_2] : memref<320000xi32, #tpu.memory_space<hbm>> -> memref<10000xi32, #tpu.memory_space<hbm>>
      tpu.enqueue_dma source(%dma_start3A_82 : memref<10000xi32, #tpu.memory_space<hbm>>) target(%arg7 : memref<10000xi32, #tpu.memory_space<vmem>>) target_semaphore(%run_scoped3A : memref<!tpu.dma_semaphore, #tpu.memory_space<semaphore_mem>>)
      %dma_wait3A_83 = tpu.memref_slice %arg3[%mul3A_2] : memref<320000xi32, #tpu.memory_space<hbm>> -> memref<10000xi32, #tpu.memory_space<hbm>>
      %dma_wait3A_84 = tpu.memref_slice %arg3[%mul3A_2] : memref<320000xi32, #tpu.memory_space<hbm>> -> memref<10000xi32, #tpu.memory_space<hbm>>
      tpu.wait_dma2 semaphore(%run_scoped3A : memref<!tpu.dma_semaphore, #tpu.memory_space<semaphore_mem>>) src(%dma_wait3A_84 : memref<10000xi32, #tpu.memory_space<hbm>>) dst(%arg7 : memref<10000xi32, #tpu.memory_space<vmem>>)
      tpu.yield
    }) : () -> ()
    "tpu.region"() ({
      %run_scoped3A = tpu.sem_alloc : memref<!tpu.dma_semaphore, #tpu.memory_space<semaphore_mem>>
      %dma_start3A_81 = arith.constant 0 : i32
      %dma_start3A_82 = arith.constant 0 : i32
      %dma_start3A_83 = tpu.memref_slice %arg4[%add3A, %dma_start3A_81, %dma_start3A_82] : memref<32x125x80xi32, #tpu.memory_space<hbm>> -> memref<1x125x80xi32, #tpu.memory_space<hbm>>
      %dma_start3A_84 = tpu.memref_squeeze %dma_start3A_83 : memref<1x125x80xi32, #tpu.memory_space<hbm>> -> memref<125x80xi32, #tpu.memory_space<hbm>>
      %dma_start3A_85 = arith.constant 0 : i32
      %dma_start3A_86 = arith.constant 0 : i32
      %dma_start3A_87 = tpu.memref_slice %arg4[%add3A, %dma_start3A_85, %dma_start3A_86] : memref<32x125x80xi32, #tpu.memory_space<hbm>> -> memref<1x125x80xi32, #tpu.memory_space<hbm>>
      %dma_start3A_88 = tpu.memref_squeeze %dma_start3A_87 : memref<1x125x80xi32, #tpu.memory_space<hbm>> -> memref<125x80xi32, #tpu.memory_space<hbm>>
      tpu.enqueue_dma source(%dma_start3A_88 : memref<125x80xi32, #tpu.memory_space<hbm>>) target(%arg8 : memref<125x80xi32, #tpu.memory_space<vmem>>) target_semaphore(%run_scoped3A : memref<!tpu.dma_semaphore, #tpu.memory_space<semaphore_mem>>)
      %dma_wait3A_89 = arith.constant 0 : i32
      %dma_wait3A_90 = arith.constant 0 : i32
      %dma_wait3A_91 = tpu.memref_slice %arg4[%add3A, %dma_wait3A_89, %dma_wait3A_90] : memref<32x125x80xi32, #tpu.memory_space<hbm>> -> memref<1x125x80xi32, #tpu.memory_space<hbm>>
      %dma_wait3A_92 = tpu.memref_squeeze %dma_wait3A_91 : memref<1x125x80xi32, #tpu.memory_space<hbm>> -> memref<125x80xi32, #tpu.memory_space<hbm>>
      %dma_wait3A_93 = arith.constant 0 : i32
      %dma_wait3A_94 = arith.constant 0 : i32
      %dma_wait3A_95 = tpu.memref_slice %arg4[%add3A, %dma_wait3A_93, %dma_wait3A_94] : memref<32x125x80xi32, #tpu.memory_space<hbm>> -> memref<1x125x80xi32, #tpu.memory_space<hbm>>
      %dma_wait3A_96 = tpu.memref_squeeze %dma_wait3A_95 : memref<1x125x80xi32, #tpu.memory_space<hbm>> -> memref<125x80xi32, #tpu.memory_space<hbm>>
      tpu.wait_dma2 semaphore(%run_scoped3A : memref<!tpu.dma_semaphore, #tpu.memory_space<semaphore_mem>>) src(%dma_wait3A_96 : memref<125x80xi32, #tpu.memory_space<hbm>>) dst(%arg8 : memref<125x80xi32, #tpu.memory_space<vmem>>)
      tpu.yield
    }) : () -> ()
    %mul3A_3 = arith.constant 632 : i32
    %mul3A_4 = arith.muli %arg1, %mul3A_3 : i32
    "tpu.region"() ({
      %run_scoped3A = tpu.sem_alloc : memref<!tpu.dma_semaphore, #tpu.memory_space<semaphore_mem>>
      %dma_start3A_81 = arith.constant 0 : i32
      %dma_start3A_82 = tpu.memref_slice %arg11[%mul3A_4, %dma_start3A_81] : memref<10112x128xf32, #tpu.memory_space<vmem_shared>> -> memref<632x128xf32, #tpu.memory_space<vmem_shared>>
      tpu.enqueue_dma source(%arg5 : memref<632x128xf32, #tpu.memory_space<hbm>>) target(%dma_start3A_82 : memref<632x128xf32, #tpu.memory_space<vmem_shared>>) target_semaphore(%run_scoped3A : memref<!tpu.dma_semaphore, #tpu.memory_space<semaphore_mem>>)
      %dma_wait3A_83 = arith.constant 0 : i32
      %dma_wait3A_84 = tpu.memref_slice %arg11[%mul3A_4, %dma_wait3A_83] : memref<10112x128xf32, #tpu.memory_space<vmem_shared>> -> memref<632x128xf32, #tpu.memory_space<vmem_shared>>
      tpu.wait_dma2 semaphore(%run_scoped3A : memref<!tpu.dma_semaphore, #tpu.memory_space<semaphore_mem>>) src(%arg5 : memref<632x128xf32, #tpu.memory_space<hbm>>) dst(%dma_wait3A_84 : memref<632x128xf32, #tpu.memory_space<vmem_shared>>)
      tpu.yield
    }) : () -> ()
    %barrier3A = arith.constant 0 : index
    tpu.barrier barrier_id(%barrier3A)
    %dma_start3A = arith.constant 0 : i32
    %dma_start3A_5 = tpu.memref_slice %arg7[%dma_start3A] : memref<10000xi32, #tpu.memory_space<vmem>> -> memref<80xi32, #tpu.memory_space<vmem>>
    %dma_start3A_6 = arith.constant 0 : i32
    %dma_start3A_7 = arith.constant 0 : i32
    %dma_start3A_8 = tpu.memref_slice %arg2[%dma_start3A_6, %dma_start3A_7] : memref<10112x128xf32, #tpu.memory_space<hbm>> -> memref<10112x128xf32, #tpu.memory_space<hbm>>
    tpu.enqueue_indirect_dma source(%dma_start3A_8 : memref<10112x128xf32, #tpu.memory_space<hbm>>) target(%arg9 : memref<80x128xf32, #tpu.memory_space<vmem>>) offsets(%dma_start3A_5 : memref<80xi32, #tpu.memory_space<vmem>>) semaphore(%arg12 : memref<!tpu.dma_semaphore, #tpu.memory_space<semaphore_mem>>)
    %dma_wait3A = arith.constant 0 : i32
    %dma_wait3A_9 = tpu.memref_slice %arg7[%dma_wait3A] : memref<10000xi32, #tpu.memory_space<vmem>> -> memref<80xi32, #tpu.memory_space<vmem>>
    %dma_wait3A_10 = arith.constant 0 : i32
    %dma_wait3A_11 = arith.constant 0 : i32
    %dma_wait3A_12 = tpu.memref_slice %arg2[%dma_wait3A_10, %dma_wait3A_11] : memref<10112x128xf32, #tpu.memory_space<hbm>> -> memref<10112x128xf32, #tpu.memory_space<hbm>>
    tpu.wait_indirect_dma semaphore(%arg12 : memref<!tpu.dma_semaphore, #tpu.memory_space<semaphore_mem>>) src(%dma_wait3A_12 : memref<10112x128xf32, #tpu.memory_space<hbm>>) dst(%arg9 : memref<80x128xf32, #tpu.memory_space<vmem>>)
    %dma_start3A_13 = arith.constant 0 : i32
    %dma_start3A_14 = arith.constant 0 : i32
    %dma_start3A_15 = tpu.memref_slice %arg8[%dma_start3A_13, %dma_start3A_14] : memref<125x80xi32, #tpu.memory_space<vmem>> -> memref<1x80xi32, #tpu.memory_space<vmem>>
    %dma_start3A_16 = tpu.memref_squeeze %dma_start3A_15 : memref<1x80xi32, #tpu.memory_space<vmem>> -> memref<80xi32, #tpu.memory_space<vmem>>
    %dma_start3A_17 = arith.constant 0 : i32
    %dma_start3A_18 = arith.constant 0 : i32
    %dma_start3A_19 = tpu.memref_slice %arg11[%dma_start3A_17, %dma_start3A_18] : memref<10112x128xf32, #tpu.memory_space<vmem_shared>> -> memref<10112x128xf32, #tpu.memory_space<vmem_shared>>
    tpu.enqueue_indirect_dma source(%arg9 : memref<80x128xf32, #tpu.memory_space<vmem>>) target(%dma_start3A_19 : memref<10112x128xf32, #tpu.memory_space<vmem_shared>>) offsets(%dma_start3A_16 : memref<80xi32, #tpu.memory_space<vmem>>) semaphore(%arg14 : memref<!tpu.dma_semaphore, #tpu.memory_space<semaphore_mem>>) {add = true}
    %dma_start3A_20 = arith.constant 80 : i32
    %dma_start3A_21 = tpu.memref_slice %arg7[%dma_start3A_20] : memref<10000xi32, #tpu.memory_space<vmem>> -> memref<80xi32, #tpu.memory_space<vmem>>
    %dma_start3A_22 = arith.constant 0 : i32
    %dma_start3A_23 = arith.constant 0 : i32
    %dma_start3A_24 = tpu.memref_slice %arg2[%dma_start3A_22, %dma_start3A_23] : memref<10112x128xf32, #tpu.memory_space<hbm>> -> memref<10112x128xf32, #tpu.memory_space<hbm>>
    tpu.enqueue_indirect_dma source(%dma_start3A_24 : memref<10112x128xf32, #tpu.memory_space<hbm>>) target(%arg10 : memref<80x128xf32, #tpu.memory_space<vmem>>) offsets(%dma_start3A_21 : memref<80xi32, #tpu.memory_space<vmem>>) semaphore(%arg13 : memref<!tpu.dma_semaphore, #tpu.memory_space<semaphore_mem>>)
    %scan3A = arith.constant 0 : i32
    %scan3A_25 = arith.constant 0 : i32
    %scan3A_26 = arith.constant 61 : i32
    %scan3A_27 = arith.addi %scan3A_25, %scan3A_26 : i32
    %scan3A_28 = arith.constant 1 : i32
    scf.for %scan3A_81 = %scan3A_25 to %scan3A_27 step %scan3A_28  : i32 {
      %mul3A_82 = arith.constant 2 : i32
      %mul3A_83 = arith.muli %mul3A_82, %scan3A_81 : i32
      %add3A_84 = arith.constant 1 : i32
      %add3A_85 = arith.addi %mul3A_83, %add3A_84 : i32
      %dma_wait3A_86 = arith.constant 0 : i32
      %dma_wait3A_87 = tpu.memref_slice %arg7[%dma_wait3A_86] : memref<10000xi32, #tpu.memory_space<vmem>> -> memref<80xi32, #tpu.memory_space<vmem>>
      %dma_wait3A_88 = arith.constant 0 : i32
      %dma_wait3A_89 = arith.constant 0 : i32
      %dma_wait3A_90 = tpu.memref_slice %arg2[%dma_wait3A_88, %dma_wait3A_89] : memref<10112x128xf32, #tpu.memory_space<hbm>> -> memref<10112x128xf32, #tpu.memory_space<hbm>>
      tpu.wait_indirect_dma semaphore(%arg13 : memref<!tpu.dma_semaphore, #tpu.memory_space<semaphore_mem>>) src(%dma_wait3A_90 : memref<10112x128xf32, #tpu.memory_space<hbm>>) dst(%arg10 : memref<80x128xf32, #tpu.memory_space<vmem>>)
      %sub3A = arith.constant 1 : i32
      %sub3A_91 = arith.subi %add3A_85, %sub3A : i32
      %dma_wait3A_92 = arith.constant 0 : i32
      %dma_wait3A_93 = tpu.memref_slice %arg8[%sub3A_91, %dma_wait3A_92] : memref<125x80xi32, #tpu.memory_space<vmem>> -> memref<1x80xi32, #tpu.memory_space<vmem>>
      %dma_wait3A_94 = tpu.memref_squeeze %dma_wait3A_93 : memref<1x80xi32, #tpu.memory_space<vmem>> -> memref<80xi32, #tpu.memory_space<vmem>>
      %dma_wait3A_95 = arith.constant 0 : i32
      %dma_wait3A_96 = arith.constant 0 : i32
      %dma_wait3A_97 = tpu.memref_slice %arg11[%dma_wait3A_95, %dma_wait3A_96] : memref<10112x128xf32, #tpu.memory_space<vmem_shared>> -> memref<10112x128xf32, #tpu.memory_space<vmem_shared>>
      tpu.wait_indirect_dma semaphore(%arg14 : memref<!tpu.dma_semaphore, #tpu.memory_space<semaphore_mem>>) src(%arg9 : memref<80x128xf32, #tpu.memory_space<vmem>>) dst(%dma_wait3A_97 : memref<10112x128xf32, #tpu.memory_space<vmem_shared>>)
      %dma_start3A_98 = arith.constant 0 : i32
      %dma_start3A_99 = tpu.memref_slice %arg8[%add3A_85, %dma_start3A_98] : memref<125x80xi32, #tpu.memory_space<vmem>> -> memref<1x80xi32, #tpu.memory_space<vmem>>
      %dma_start3A_100 = tpu.memref_squeeze %dma_start3A_99 : memref<1x80xi32, #tpu.memory_space<vmem>> -> memref<80xi32, #tpu.memory_space<vmem>>
      %dma_start3A_101 = arith.constant 0 : i32
      %dma_start3A_102 = arith.constant 0 : i32
      %dma_start3A_103 = tpu.memref_slice %arg11[%dma_start3A_101, %dma_start3A_102] : memref<10112x128xf32, #tpu.memory_space<vmem_shared>> -> memref<10112x128xf32, #tpu.memory_space<vmem_shared>>
      tpu.enqueue_indirect_dma source(%arg10 : memref<80x128xf32, #tpu.memory_space<vmem>>) target(%dma_start3A_103 : memref<10112x128xf32, #tpu.memory_space<vmem_shared>>) offsets(%dma_start3A_100 : memref<80xi32, #tpu.memory_space<vmem>>) semaphore(%arg15 : memref<!tpu.dma_semaphore, #tpu.memory_space<semaphore_mem>>) {add = true}
      %add3A_104 = arith.constant 1 : i32
      %add3A_105 = arith.addi %add3A_85, %add3A_104 : i32
      %mul3A_106 = arith.constant 80 : i32
      %mul3A_107 = arith.muli %add3A_105, %mul3A_106 : i32
      %dma_start3A_108 = tpu.memref_slice %arg7[%mul3A_107] : memref<10000xi32, #tpu.memory_space<vmem>> -> memref<80xi32, #tpu.memory_space<vmem>>
      %dma_start3A_109 = arith.constant 0 : i32
      %dma_start3A_110 = arith.constant 0 : i32
      %dma_start3A_111 = tpu.memref_slice %arg2[%dma_start3A_109, %dma_start3A_110] : memref<10112x128xf32, #tpu.memory_space<hbm>> -> memref<10112x128xf32, #tpu.memory_space<hbm>>
      tpu.enqueue_indirect_dma source(%dma_start3A_111 : memref<10112x128xf32, #tpu.memory_space<hbm>>) target(%arg9 : memref<80x128xf32, #tpu.memory_space<vmem>>) offsets(%dma_start3A_108 : memref<80xi32, #tpu.memory_space<vmem>>) semaphore(%arg12 : memref<!tpu.dma_semaphore, #tpu.memory_space<semaphore_mem>>)
      %dma_wait3A_112 = arith.constant 0 : i32
      %dma_wait3A_113 = tpu.memref_slice %arg7[%dma_wait3A_112] : memref<10000xi32, #tpu.memory_space<vmem>> -> memref<80xi32, #tpu.memory_space<vmem>>
      %dma_wait3A_114 = arith.constant 0 : i32
      %dma_wait3A_115 = arith.constant 0 : i32
      %dma_wait3A_116 = tpu.memref_slice %arg2[%dma_wait3A_114, %dma_wait3A_115] : memref<10112x128xf32, #tpu.memory_space<hbm>> -> memref<10112x128xf32, #tpu.memory_space<hbm>>
      tpu.wait_indirect_dma semaphore(%arg12 : memref<!tpu.dma_semaphore, #tpu.memory_space<semaphore_mem>>) src(%dma_wait3A_116 : memref<10112x128xf32, #tpu.memory_space<hbm>>) dst(%arg9 : memref<80x128xf32, #tpu.memory_space<vmem>>)
      %dma_wait3A_117 = arith.constant 0 : i32
      %dma_wait3A_118 = tpu.memref_slice %arg8[%add3A_85, %dma_wait3A_117] : memref<125x80xi32, #tpu.memory_space<vmem>> -> memref<1x80xi32, #tpu.memory_space<vmem>>
      %dma_wait3A_119 = tpu.memref_squeeze %dma_wait3A_118 : memref<1x80xi32, #tpu.memory_space<vmem>> -> memref<80xi32, #tpu.memory_space<vmem>>
      %dma_wait3A_120 = arith.constant 0 : i32
      %dma_wait3A_121 = arith.constant 0 : i32
      %dma_wait3A_122 = tpu.memref_slice %arg11[%dma_wait3A_120, %dma_wait3A_121] : memref<10112x128xf32, #tpu.memory_space<vmem_shared>> -> memref<10112x128xf32, #tpu.memory_space<vmem_shared>>
      tpu.wait_indirect_dma semaphore(%arg15 : memref<!tpu.dma_semaphore, #tpu.memory_space<semaphore_mem>>) src(%arg10 : memref<80x128xf32, #tpu.memory_space<vmem>>) dst(%dma_wait3A_122 : memref<10112x128xf32, #tpu.memory_space<vmem_shared>>)
      %add3A_123 = arith.constant 1 : i32
      %add3A_124 = arith.addi %add3A_85, %add3A_123 : i32
      %dma_start3A_125 = arith.constant 0 : i32
      %dma_start3A_126 = tpu.memref_slice %arg8[%add3A_124, %dma_start3A_125] : memref<125x80xi32, #tpu.memory_space<vmem>> -> memref<1x80xi32, #tpu.memory_space<vmem>>
      %dma_start3A_127 = tpu.memref_squeeze %dma_start3A_126 : memref<1x80xi32, #tpu.memory_space<vmem>> -> memref<80xi32, #tpu.memory_space<vmem>>
      %dma_start3A_128 = arith.constant 0 : i32
      %dma_start3A_129 = arith.constant 0 : i32
      %dma_start3A_130 = tpu.memref_slice %arg11[%dma_start3A_128, %dma_start3A_129] : memref<10112x128xf32, #tpu.memory_space<vmem_shared>> -> memref<10112x128xf32, #tpu.memory_space<vmem_shared>>
      tpu.enqueue_indirect_dma source(%arg9 : memref<80x128xf32, #tpu.memory_space<vmem>>) target(%dma_start3A_130 : memref<10112x128xf32, #tpu.memory_space<vmem_shared>>) offsets(%dma_start3A_127 : memref<80xi32, #tpu.memory_space<vmem>>) semaphore(%arg14 : memref<!tpu.dma_semaphore, #tpu.memory_space<semaphore_mem>>) {add = true}
      %add3A_131 = arith.constant 2 : i32
      %add3A_132 = arith.addi %add3A_85, %add3A_131 : i32
      %mul3A_133 = arith.constant 80 : i32
      %mul3A_134 = arith.muli %add3A_132, %mul3A_133 : i32
      %dma_start3A_135 = tpu.memref_slice %arg7[%mul3A_134] : memref<10000xi32, #tpu.memory_space<vmem>> -> memref<80xi32, #tpu.memory_space<vmem>>
      %dma_start3A_136 = arith.constant 0 : i32
      %dma_start3A_137 = arith.constant 0 : i32
      %dma_start3A_138 = tpu.memref_slice %arg2[%dma_start3A_136, %dma_start3A_137] : memref<10112x128xf32, #tpu.memory_space<hbm>> -> memref<10112x128xf32, #tpu.memory_space<hbm>>
      tpu.enqueue_indirect_dma source(%dma_start3A_138 : memref<10112x128xf32, #tpu.memory_space<hbm>>) target(%arg10 : memref<80x128xf32, #tpu.memory_space<vmem>>) offsets(%dma_start3A_135 : memref<80xi32, #tpu.memory_space<vmem>>) semaphore(%arg13 : memref<!tpu.dma_semaphore, #tpu.memory_space<semaphore_mem>>)
    }
    %scan3A_29 = arith.constant 61 : i32
    %dma_wait3A_30 = arith.constant 0 : i32
    %dma_wait3A_31 = tpu.memref_slice %arg7[%dma_wait3A_30] : memref<10000xi32, #tpu.memory_space<vmem>> -> memref<80xi32, #tpu.memory_space<vmem>>
    %dma_wait3A_32 = arith.constant 0 : i32
    %dma_wait3A_33 = arith.constant 0 : i32
    %dma_wait3A_34 = tpu.memref_slice %arg2[%dma_wait3A_32, %dma_wait3A_33] : memref<10112x128xf32, #tpu.memory_space<hbm>> -> memref<10112x128xf32, #tpu.memory_space<hbm>>
    tpu.wait_indirect_dma semaphore(%arg13 : memref<!tpu.dma_semaphore, #tpu.memory_space<semaphore_mem>>) src(%dma_wait3A_34 : memref<10112x128xf32, #tpu.memory_space<hbm>>) dst(%arg10 : memref<80x128xf32, #tpu.memory_space<vmem>>)
    %dma_wait3A_35 = arith.constant 122 : i32
    %dma_wait3A_36 = arith.constant 0 : i32
    %dma_wait3A_37 = tpu.memref_slice %arg8[%dma_wait3A_35, %dma_wait3A_36] : memref<125x80xi32, #tpu.memory_space<vmem>> -> memref<1x80xi32, #tpu.memory_space<vmem>>
    %dma_wait3A_38 = tpu.memref_squeeze %dma_wait3A_37 : memref<1x80xi32, #tpu.memory_space<vmem>> -> memref<80xi32, #tpu.memory_space<vmem>>
    %dma_wait3A_39 = arith.constant 0 : i32
    %dma_wait3A_40 = arith.constant 0 : i32
    %dma_wait3A_41 = tpu.memref_slice %arg11[%dma_wait3A_39, %dma_wait3A_40] : memref<10112x128xf32, #tpu.memory_space<vmem_shared>> -> memref<10112x128xf32, #tpu.memory_space<vmem_shared>>
    tpu.wait_indirect_dma semaphore(%arg14 : memref<!tpu.dma_semaphore, #tpu.memory_space<semaphore_mem>>) src(%arg9 : memref<80x128xf32, #tpu.memory_space<vmem>>) dst(%dma_wait3A_41 : memref<10112x128xf32, #tpu.memory_space<vmem_shared>>)
    %dma_start3A_42 = arith.constant 123 : i32
    %dma_start3A_43 = arith.constant 0 : i32
    %dma_start3A_44 = tpu.memref_slice %arg8[%dma_start3A_42, %dma_start3A_43] : memref<125x80xi32, #tpu.memory_space<vmem>> -> memref<1x80xi32, #tpu.memory_space<vmem>>
    %dma_start3A_45 = tpu.memref_squeeze %dma_start3A_44 : memref<1x80xi32, #tpu.memory_space<vmem>> -> memref<80xi32, #tpu.memory_space<vmem>>
    %dma_start3A_46 = arith.constant 0 : i32
    %dma_start3A_47 = arith.constant 0 : i32
    %dma_start3A_48 = tpu.memref_slice %arg11[%dma_start3A_46, %dma_start3A_47] : memref<10112x128xf32, #tpu.memory_space<vmem_shared>> -> memref<10112x128xf32, #tpu.memory_space<vmem_shared>>
    tpu.enqueue_indirect_dma source(%arg10 : memref<80x128xf32, #tpu.memory_space<vmem>>) target(%dma_start3A_48 : memref<10112x128xf32, #tpu.memory_space<vmem_shared>>) offsets(%dma_start3A_45 : memref<80xi32, #tpu.memory_space<vmem>>) semaphore(%arg15 : memref<!tpu.dma_semaphore, #tpu.memory_space<semaphore_mem>>) {add = true}
    %dma_start3A_49 = arith.constant 9920 : i32
    %dma_start3A_50 = tpu.memref_slice %arg7[%dma_start3A_49] : memref<10000xi32, #tpu.memory_space<vmem>> -> memref<80xi32, #tpu.memory_space<vmem>>
    %dma_start3A_51 = arith.constant 0 : i32
    %dma_start3A_52 = arith.constant 0 : i32
    %dma_start3A_53 = tpu.memref_slice %arg2[%dma_start3A_51, %dma_start3A_52] : memref<10112x128xf32, #tpu.memory_space<hbm>> -> memref<10112x128xf32, #tpu.memory_space<hbm>>
    tpu.enqueue_indirect_dma source(%dma_start3A_53 : memref<10112x128xf32, #tpu.memory_space<hbm>>) target(%arg9 : memref<80x128xf32, #tpu.memory_space<vmem>>) offsets(%dma_start3A_50 : memref<80xi32, #tpu.memory_space<vmem>>) semaphore(%arg12 : memref<!tpu.dma_semaphore, #tpu.memory_space<semaphore_mem>>)
    %dma_wait3A_54 = arith.constant 0 : i32
    %dma_wait3A_55 = tpu.memref_slice %arg7[%dma_wait3A_54] : memref<10000xi32, #tpu.memory_space<vmem>> -> memref<80xi32, #tpu.memory_space<vmem>>
    %dma_wait3A_56 = arith.constant 0 : i32
    %dma_wait3A_57 = arith.constant 0 : i32
    %dma_wait3A_58 = tpu.memref_slice %arg2[%dma_wait3A_56, %dma_wait3A_57] : memref<10112x128xf32, #tpu.memory_space<hbm>> -> memref<10112x128xf32, #tpu.memory_space<hbm>>
    tpu.wait_indirect_dma semaphore(%arg12 : memref<!tpu.dma_semaphore, #tpu.memory_space<semaphore_mem>>) src(%dma_wait3A_58 : memref<10112x128xf32, #tpu.memory_space<hbm>>) dst(%arg9 : memref<80x128xf32, #tpu.memory_space<vmem>>)
    %dma_wait3A_59 = arith.constant 123 : i32
    %dma_wait3A_60 = arith.constant 0 : i32
    %dma_wait3A_61 = tpu.memref_slice %arg8[%dma_wait3A_59, %dma_wait3A_60] : memref<125x80xi32, #tpu.memory_space<vmem>> -> memref<1x80xi32, #tpu.memory_space<vmem>>
    %dma_wait3A_62 = tpu.memref_squeeze %dma_wait3A_61 : memref<1x80xi32, #tpu.memory_space<vmem>> -> memref<80xi32, #tpu.memory_space<vmem>>
    %dma_wait3A_63 = arith.constant 0 : i32
    %dma_wait3A_64 = arith.constant 0 : i32
    %dma_wait3A_65 = tpu.memref_slice %arg11[%dma_wait3A_63, %dma_wait3A_64] : memref<10112x128xf32, #tpu.memory_space<vmem_shared>> -> memref<10112x128xf32, #tpu.memory_space<vmem_shared>>
    tpu.wait_indirect_dma semaphore(%arg15 : memref<!tpu.dma_semaphore, #tpu.memory_space<semaphore_mem>>) src(%arg10 : memref<80x128xf32, #tpu.memory_space<vmem>>) dst(%dma_wait3A_65 : memref<10112x128xf32, #tpu.memory_space<vmem_shared>>)
    %dma_start3A_66 = arith.constant 124 : i32
    %dma_start3A_67 = arith.constant 0 : i32
    %dma_start3A_68 = tpu.memref_slice %arg8[%dma_start3A_66, %dma_start3A_67] : memref<125x80xi32, #tpu.memory_space<vmem>> -> memref<1x80xi32, #tpu.memory_space<vmem>>
    %dma_start3A_69 = tpu.memref_squeeze %dma_start3A_68 : memref<1x80xi32, #tpu.memory_space<vmem>> -> memref<80xi32, #tpu.memory_space<vmem>>
    %dma_start3A_70 = arith.constant 0 : i32
    %dma_start3A_71 = arith.constant 0 : i32
    %dma_start3A_72 = tpu.memref_slice %arg11[%dma_start3A_70, %dma_start3A_71] : memref<10112x128xf32, #tpu.memory_space<vmem_shared>> -> memref<10112x128xf32, #tpu.memory_space<vmem_shared>>
    tpu.enqueue_indirect_dma source(%arg9 : memref<80x128xf32, #tpu.memory_space<vmem>>) target(%dma_start3A_72 : memref<10112x128xf32, #tpu.memory_space<vmem_shared>>) offsets(%dma_start3A_69 : memref<80xi32, #tpu.memory_space<vmem>>) semaphore(%arg14 : memref<!tpu.dma_semaphore, #tpu.memory_space<semaphore_mem>>) {add = true}
    %dma_wait3A_73 = arith.constant 124 : i32
    %dma_wait3A_74 = arith.constant 0 : i32
    %dma_wait3A_75 = tpu.memref_slice %arg8[%dma_wait3A_73, %dma_wait3A_74] : memref<125x80xi32, #tpu.memory_space<vmem>> -> memref<1x80xi32, #tpu.memory_space<vmem>>
    %dma_wait3A_76 = tpu.memref_squeeze %dma_wait3A_75 : memref<1x80xi32, #tpu.memory_space<vmem>> -> memref<80xi32, #tpu.memory_space<vmem>>
    %dma_wait3A_77 = arith.constant 0 : i32
    %dma_wait3A_78 = arith.constant 0 : i32
    %dma_wait3A_79 = tpu.memref_slice %arg11[%dma_wait3A_77, %dma_wait3A_78] : memref<10112x128xf32, #tpu.memory_space<vmem_shared>> -> memref<10112x128xf32, #tpu.memory_space<vmem_shared>>
    tpu.wait_indirect_dma semaphore(%arg14 : memref<!tpu.dma_semaphore, #tpu.memory_space<semaphore_mem>>) src(%arg9 : memref<80x128xf32, #tpu.memory_space<vmem>>) dst(%dma_wait3A_79 : memref<10112x128xf32, #tpu.memory_space<vmem_shared>>)
    %barrier3A_80 = arith.constant 0 : index
    tpu.barrier barrier_id(%barrier3A_80)
    "tpu.region"() ({
      %run_scoped3A = tpu.sem_alloc : memref<!tpu.dma_semaphore, #tpu.memory_space<semaphore_mem>>
      %dma_start3A_81 = arith.constant 0 : i32
      %dma_start3A_82 = tpu.memref_slice %arg6[%arg0, %mul3A_4, %dma_start3A_81] : memref<2x10112x128xf32, #tpu.memory_space<hbm>> -> memref<1x632x128xf32, #tpu.memory_space<hbm>>
      %dma_start3A_83 = tpu.memref_squeeze %dma_start3A_82 : memref<1x632x128xf32, #tpu.memory_space<hbm>> -> memref<632x128xf32, #tpu.memory_space<hbm>>
      %dma_start3A_84 = arith.constant 0 : i32
      %dma_start3A_85 = tpu.memref_slice %arg11[%mul3A_4, %dma_start3A_84] : memref<10112x128xf32, #tpu.memory_space<vmem_shared>> -> memref<632x128xf32, #tpu.memory_space<vmem_shared>>
      tpu.enqueue_dma source(%dma_start3A_85 : memref<632x128xf32, #tpu.memory_space<vmem_shared>>) target(%dma_start3A_83 : memref<632x128xf32, #tpu.memory_space<hbm>>) target_semaphore(%run_scoped3A : memref<!tpu.dma_semaphore, #tpu.memory_space<semaphore_mem>>)
      %dma_wait3A_86 = arith.constant 0 : i32
      %dma_wait3A_87 = tpu.memref_slice %arg6[%arg0, %mul3A_4, %dma_wait3A_86] : memref<2x10112x128xf32, #tpu.memory_space<hbm>> -> memref<1x632x128xf32, #tpu.memory_space<hbm>>
      %dma_wait3A_88 = tpu.memref_squeeze %dma_wait3A_87 : memref<1x632x128xf32, #tpu.memory_space<hbm>> -> memref<632x128xf32, #tpu.memory_space<hbm>>
      %dma_wait3A_89 = arith.constant 0 : i32
      %dma_wait3A_90 = tpu.memref_slice %arg11[%mul3A_4, %dma_wait3A_89] : memref<10112x128xf32, #tpu.memory_space<vmem_shared>> -> memref<632x128xf32, #tpu.memory_space<vmem_shared>>
      tpu.wait_dma2 semaphore(%run_scoped3A : memref<!tpu.dma_semaphore, #tpu.memory_space<semaphore_mem>>) src(%dma_wait3A_90 : memref<632x128xf32, #tpu.memory_space<vmem_shared>>) dst(%dma_wait3A_88 : memref<632x128xf32, #tpu.memory_space<hbm>>)
      tpu.yield
    }) : () -> ()
    return
  }
}

#map = affine_map<(d0, d1) -> (0, 0, 0)>
#map1 = affine_map<(d0, d1) -> (0, 0)>
module attributes {stable_mosaic.version = 14 : i64} {
  func.func @body(%arg0: i32, %arg1: i32, %arg2: memref<32x125x80xi32, #tpu.memory_space<hbm>>, %arg3: memref<632x128xf32, #tpu.memory_space<hbm>>, %arg4: memref<80x128xf32, #tpu.memory_space<hbm>>, %arg5: memref<2x10112x128xf32, #tpu.memory_space<hbm>>, %arg6: memref<125x80xi32, #tpu.memory_space<vmem>>, %arg7: memref<80x128xf32, #tpu.memory_space<vmem>>, %arg8: memref<10112x128xf32, #tpu.memory_space<vmem_shared>>, %arg9: memref<!tpu.dma_semaphore, #tpu.memory_space<semaphore_mem>>, %arg10: memref<!tpu.dma_semaphore, #tpu.memory_space<semaphore_mem>>) attributes {dimension_semantics = [#tpu.dimension_semantics<core_parallel>, #tpu.dimension_semantics<subcore_parallel>], iteration_bounds = array<i64: 2, 16>, scalar_prefetch = 0 : i64, scratch_operands = 5 : i64, tpu.core_type = #tpu.core_type<sc_vector_subcore>, window_params = [{transform_indices = #map}, {transform_indices = #map1}, {transform_indices = #map1}, {transform_indices = #map}]} {
    %mul3A = arith.constant 16 : i32
    %mul3A_0 = arith.muli %arg0, %mul3A : i32
    %add3A = arith.addi %mul3A_0, %arg1 : i32
    "tpu.region"() ({
      %run_scoped3A = tpu.sem_alloc : memref<!tpu.dma_semaphore, #tpu.memory_space<semaphore_mem>>
      %dma_start3A_49 = arith.constant 0 : i32
      %dma_start3A_50 = arith.constant 0 : i32
      %dma_start3A_51 = tpu.memref_slice %arg2[%add3A, %dma_start3A_49, %dma_start3A_50] : memref<32x125x80xi32, #tpu.memory_space<hbm>> -> memref<1x125x80xi32, #tpu.memory_space<hbm>>
      %dma_start3A_52 = tpu.memref_squeeze %dma_start3A_51 : memref<1x125x80xi32, #tpu.memory_space<hbm>> -> memref<125x80xi32, #tpu.memory_space<hbm>>
      %dma_start3A_53 = arith.constant 0 : i32
      %dma_start3A_54 = arith.constant 0 : i32
      %dma_start3A_55 = tpu.memref_slice %arg2[%add3A, %dma_start3A_53, %dma_start3A_54] : memref<32x125x80xi32, #tpu.memory_space<hbm>> -> memref<1x125x80xi32, #tpu.memory_space<hbm>>
      %dma_start3A_56 = tpu.memref_squeeze %dma_start3A_55 : memref<1x125x80xi32, #tpu.memory_space<hbm>> -> memref<125x80xi32, #tpu.memory_space<hbm>>
      tpu.enqueue_dma source(%dma_start3A_56 : memref<125x80xi32, #tpu.memory_space<hbm>>) target(%arg6 : memref<125x80xi32, #tpu.memory_space<vmem>>) target_semaphore(%run_scoped3A : memref<!tpu.dma_semaphore, #tpu.memory_space<semaphore_mem>>)
      %dma_wait3A_57 = arith.constant 0 : i32
      %dma_wait3A_58 = arith.constant 0 : i32
      %dma_wait3A_59 = tpu.memref_slice %arg2[%add3A, %dma_wait3A_57, %dma_wait3A_58] : memref<32x125x80xi32, #tpu.memory_space<hbm>> -> memref<1x125x80xi32, #tpu.memory_space<hbm>>
      %dma_wait3A_60 = tpu.memref_squeeze %dma_wait3A_59 : memref<1x125x80xi32, #tpu.memory_space<hbm>> -> memref<125x80xi32, #tpu.memory_space<hbm>>
      %dma_wait3A_61 = arith.constant 0 : i32
      %dma_wait3A_62 = arith.constant 0 : i32
      %dma_wait3A_63 = tpu.memref_slice %arg2[%add3A, %dma_wait3A_61, %dma_wait3A_62] : memref<32x125x80xi32, #tpu.memory_space<hbm>> -> memref<1x125x80xi32, #tpu.memory_space<hbm>>
      %dma_wait3A_64 = tpu.memref_squeeze %dma_wait3A_63 : memref<1x125x80xi32, #tpu.memory_space<hbm>> -> memref<125x80xi32, #tpu.memory_space<hbm>>
      tpu.wait_dma2 semaphore(%run_scoped3A : memref<!tpu.dma_semaphore, #tpu.memory_space<semaphore_mem>>) src(%dma_wait3A_64 : memref<125x80xi32, #tpu.memory_space<hbm>>) dst(%arg6 : memref<125x80xi32, #tpu.memory_space<vmem>>)
      tpu.yield
    }) : () -> ()
    "tpu.region"() ({
      %run_scoped3A = tpu.sem_alloc : memref<!tpu.dma_semaphore, #tpu.memory_space<semaphore_mem>>
      tpu.enqueue_dma source(%arg4 : memref<80x128xf32, #tpu.memory_space<hbm>>) target(%arg7 : memref<80x128xf32, #tpu.memory_space<vmem>>) target_semaphore(%run_scoped3A : memref<!tpu.dma_semaphore, #tpu.memory_space<semaphore_mem>>)
      tpu.wait_dma2 semaphore(%run_scoped3A : memref<!tpu.dma_semaphore, #tpu.memory_space<semaphore_mem>>) src(%arg4 : memref<80x128xf32, #tpu.memory_space<hbm>>) dst(%arg7 : memref<80x128xf32, #tpu.memory_space<vmem>>)
      tpu.yield
    }) : () -> ()
    %mul3A_1 = arith.constant 632 : i32
    %mul3A_2 = arith.muli %arg1, %mul3A_1 : i32
    "tpu.region"() ({
      %run_scoped3A = tpu.sem_alloc : memref<!tpu.dma_semaphore, #tpu.memory_space<semaphore_mem>>
      %dma_start3A_49 = arith.constant 0 : i32
      %dma_start3A_50 = tpu.memref_slice %arg8[%mul3A_2, %dma_start3A_49] : memref<10112x128xf32, #tpu.memory_space<vmem_shared>> -> memref<632x128xf32, #tpu.memory_space<vmem_shared>>
      tpu.enqueue_dma source(%arg3 : memref<632x128xf32, #tpu.memory_space<hbm>>) target(%dma_start3A_50 : memref<632x128xf32, #tpu.memory_space<vmem_shared>>) target_semaphore(%run_scoped3A : memref<!tpu.dma_semaphore, #tpu.memory_space<semaphore_mem>>)
      %dma_wait3A_51 = arith.constant 0 : i32
      %dma_wait3A_52 = tpu.memref_slice %arg8[%mul3A_2, %dma_wait3A_51] : memref<10112x128xf32, #tpu.memory_space<vmem_shared>> -> memref<632x128xf32, #tpu.memory_space<vmem_shared>>
      tpu.wait_dma2 semaphore(%run_scoped3A : memref<!tpu.dma_semaphore, #tpu.memory_space<semaphore_mem>>) src(%arg3 : memref<632x128xf32, #tpu.memory_space<hbm>>) dst(%dma_wait3A_52 : memref<632x128xf32, #tpu.memory_space<vmem_shared>>)
      tpu.yield
    }) : () -> ()
    %barrier3A = arith.constant 0 : index
    tpu.barrier barrier_id(%barrier3A)
    %dma_start3A = arith.constant 0 : i32
    %dma_start3A_3 = arith.constant 0 : i32
    %dma_start3A_4 = tpu.memref_slice %arg6[%dma_start3A, %dma_start3A_3] : memref<125x80xi32, #tpu.memory_space<vmem>> -> memref<1x80xi32, #tpu.memory_space<vmem>>
    %dma_start3A_5 = tpu.memref_squeeze %dma_start3A_4 : memref<1x80xi32, #tpu.memory_space<vmem>> -> memref<80xi32, #tpu.memory_space<vmem>>
    %dma_start3A_6 = arith.constant 0 : i32
    %dma_start3A_7 = arith.constant 0 : i32
    %dma_start3A_8 = tpu.memref_slice %arg8[%dma_start3A_6, %dma_start3A_7] : memref<10112x128xf32, #tpu.memory_space<vmem_shared>> -> memref<10112x128xf32, #tpu.memory_space<vmem_shared>>
    tpu.enqueue_indirect_dma source(%arg7 : memref<80x128xf32, #tpu.memory_space<vmem>>) target(%dma_start3A_8 : memref<10112x128xf32, #tpu.memory_space<vmem_shared>>) offsets(%dma_start3A_5 : memref<80xi32, #tpu.memory_space<vmem>>) semaphore(%arg9 : memref<!tpu.dma_semaphore, #tpu.memory_space<semaphore_mem>>) {add = true}
    %dma_start3A_9 = arith.constant 1 : i32
    %dma_start3A_10 = arith.constant 0 : i32
    %dma_start3A_11 = tpu.memref_slice %arg6[%dma_start3A_9, %dma_start3A_10] : memref<125x80xi32, #tpu.memory_space<vmem>> -> memref<1x80xi32, #tpu.memory_space<vmem>>
    %dma_start3A_12 = tpu.memref_squeeze %dma_start3A_11 : memref<1x80xi32, #tpu.memory_space<vmem>> -> memref<80xi32, #tpu.memory_space<vmem>>
    %dma_start3A_13 = arith.constant 0 : i32
    %dma_start3A_14 = arith.constant 0 : i32
    %dma_start3A_15 = tpu.memref_slice %arg8[%dma_start3A_13, %dma_start3A_14] : memref<10112x128xf32, #tpu.memory_space<vmem_shared>> -> memref<10112x128xf32, #tpu.memory_space<vmem_shared>>
    tpu.enqueue_indirect_dma source(%arg7 : memref<80x128xf32, #tpu.memory_space<vmem>>) target(%dma_start3A_15 : memref<10112x128xf32, #tpu.memory_space<vmem_shared>>) offsets(%dma_start3A_12 : memref<80xi32, #tpu.memory_space<vmem>>) semaphore(%arg10 : memref<!tpu.dma_semaphore, #tpu.memory_space<semaphore_mem>>) {add = true}
    %scan3A = arith.constant 0 : i32
    %scan3A_16 = arith.constant 0 : i32
    %scan3A_17 = arith.constant 61 : i32
    %scan3A_18 = arith.addi %scan3A_16, %scan3A_17 : i32
    %scan3A_19 = arith.constant 1 : i32
    scf.for %scan3A_49 = %scan3A_16 to %scan3A_18 step %scan3A_19  : i32 {
      %mul3A_50 = arith.constant 2 : i32
      %mul3A_51 = arith.muli %mul3A_50, %scan3A_49 : i32
      %dma_wait3A_52 = arith.constant 0 : i32
      %dma_wait3A_53 = tpu.memref_slice %arg6[%mul3A_51, %dma_wait3A_52] : memref<125x80xi32, #tpu.memory_space<vmem>> -> memref<1x80xi32, #tpu.memory_space<vmem>>
      %dma_wait3A_54 = tpu.memref_squeeze %dma_wait3A_53 : memref<1x80xi32, #tpu.memory_space<vmem>> -> memref<80xi32, #tpu.memory_space<vmem>>
      %dma_wait3A_55 = arith.constant 0 : i32
      %dma_wait3A_56 = arith.constant 0 : i32
      %dma_wait3A_57 = tpu.memref_slice %arg8[%dma_wait3A_55, %dma_wait3A_56] : memref<10112x128xf32, #tpu.memory_space<vmem_shared>> -> memref<10112x128xf32, #tpu.memory_space<vmem_shared>>
      tpu.wait_indirect_dma semaphore(%arg9 : memref<!tpu.dma_semaphore, #tpu.memory_space<semaphore_mem>>) src(%arg7 : memref<80x128xf32, #tpu.memory_space<vmem>>) dst(%dma_wait3A_57 : memref<10112x128xf32, #tpu.memory_space<vmem_shared>>)
      %add3A_58 = arith.constant 2 : i32
      %add3A_59 = arith.addi %mul3A_51, %add3A_58 : i32
      %dma_start3A_60 = arith.constant 0 : i32
      %dma_start3A_61 = tpu.memref_slice %arg6[%add3A_59, %dma_start3A_60] : memref<125x80xi32, #tpu.memory_space<vmem>> -> memref<1x80xi32, #tpu.memory_space<vmem>>
      %dma_start3A_62 = tpu.memref_squeeze %dma_start3A_61 : memref<1x80xi32, #tpu.memory_space<vmem>> -> memref<80xi32, #tpu.memory_space<vmem>>
      %dma_start3A_63 = arith.constant 0 : i32
      %dma_start3A_64 = arith.constant 0 : i32
      %dma_start3A_65 = tpu.memref_slice %arg8[%dma_start3A_63, %dma_start3A_64] : memref<10112x128xf32, #tpu.memory_space<vmem_shared>> -> memref<10112x128xf32, #tpu.memory_space<vmem_shared>>
      tpu.enqueue_indirect_dma source(%arg7 : memref<80x128xf32, #tpu.memory_space<vmem>>) target(%dma_start3A_65 : memref<10112x128xf32, #tpu.memory_space<vmem_shared>>) offsets(%dma_start3A_62 : memref<80xi32, #tpu.memory_space<vmem>>) semaphore(%arg9 : memref<!tpu.dma_semaphore, #tpu.memory_space<semaphore_mem>>) {add = true}
      %add3A_66 = arith.constant 1 : i32
      %add3A_67 = arith.addi %mul3A_51, %add3A_66 : i32
      %dma_wait3A_68 = arith.constant 0 : i32
      %dma_wait3A_69 = tpu.memref_slice %arg6[%add3A_67, %dma_wait3A_68] : memref<125x80xi32, #tpu.memory_space<vmem>> -> memref<1x80xi32, #tpu.memory_space<vmem>>
      %dma_wait3A_70 = tpu.memref_squeeze %dma_wait3A_69 : memref<1x80xi32, #tpu.memory_space<vmem>> -> memref<80xi32, #tpu.memory_space<vmem>>
      %dma_wait3A_71 = arith.constant 0 : i32
      %dma_wait3A_72 = arith.constant 0 : i32
      %dma_wait3A_73 = tpu.memref_slice %arg8[%dma_wait3A_71, %dma_wait3A_72] : memref<10112x128xf32, #tpu.memory_space<vmem_shared>> -> memref<10112x128xf32, #tpu.memory_space<vmem_shared>>
      tpu.wait_indirect_dma semaphore(%arg10 : memref<!tpu.dma_semaphore, #tpu.memory_space<semaphore_mem>>) src(%arg7 : memref<80x128xf32, #tpu.memory_space<vmem>>) dst(%dma_wait3A_73 : memref<10112x128xf32, #tpu.memory_space<vmem_shared>>)
      %add3A_74 = arith.constant 3 : i32
      %add3A_75 = arith.addi %mul3A_51, %add3A_74 : i32
      %dma_start3A_76 = arith.constant 0 : i32
      %dma_start3A_77 = tpu.memref_slice %arg6[%add3A_75, %dma_start3A_76] : memref<125x80xi32, #tpu.memory_space<vmem>> -> memref<1x80xi32, #tpu.memory_space<vmem>>
      %dma_start3A_78 = tpu.memref_squeeze %dma_start3A_77 : memref<1x80xi32, #tpu.memory_space<vmem>> -> memref<80xi32, #tpu.memory_space<vmem>>
      %dma_start3A_79 = arith.constant 0 : i32
      %dma_start3A_80 = arith.constant 0 : i32
      %dma_start3A_81 = tpu.memref_slice %arg8[%dma_start3A_79, %dma_start3A_80] : memref<10112x128xf32, #tpu.memory_space<vmem_shared>> -> memref<10112x128xf32, #tpu.memory_space<vmem_shared>>
      tpu.enqueue_indirect_dma source(%arg7 : memref<80x128xf32, #tpu.memory_space<vmem>>) target(%dma_start3A_81 : memref<10112x128xf32, #tpu.memory_space<vmem_shared>>) offsets(%dma_start3A_78 : memref<80xi32, #tpu.memory_space<vmem>>) semaphore(%arg10 : memref<!tpu.dma_semaphore, #tpu.memory_space<semaphore_mem>>) {add = true}
    }
    %scan3A_20 = arith.constant 61 : i32
    %dma_wait3A = arith.constant 122 : i32
    %dma_wait3A_21 = arith.constant 0 : i32
    %dma_wait3A_22 = tpu.memref_slice %arg6[%dma_wait3A, %dma_wait3A_21] : memref<125x80xi32, #tpu.memory_space<vmem>> -> memref<1x80xi32, #tpu.memory_space<vmem>>
    %dma_wait3A_23 = tpu.memref_squeeze %dma_wait3A_22 : memref<1x80xi32, #tpu.memory_space<vmem>> -> memref<80xi32, #tpu.memory_space<vmem>>
    %dma_wait3A_24 = arith.constant 0 : i32
    %dma_wait3A_25 = arith.constant 0 : i32
    %dma_wait3A_26 = tpu.memref_slice %arg8[%dma_wait3A_24, %dma_wait3A_25] : memref<10112x128xf32, #tpu.memory_space<vmem_shared>> -> memref<10112x128xf32, #tpu.memory_space<vmem_shared>>
    tpu.wait_indirect_dma semaphore(%arg9 : memref<!tpu.dma_semaphore, #tpu.memory_space<semaphore_mem>>) src(%arg7 : memref<80x128xf32, #tpu.memory_space<vmem>>) dst(%dma_wait3A_26 : memref<10112x128xf32, #tpu.memory_space<vmem_shared>>)
    %dma_start3A_27 = arith.constant 124 : i32
    %dma_start3A_28 = arith.constant 0 : i32
    %dma_start3A_29 = tpu.memref_slice %arg6[%dma_start3A_27, %dma_start3A_28] : memref<125x80xi32, #tpu.memory_space<vmem>> -> memref<1x80xi32, #tpu.memory_space<vmem>>
    %dma_start3A_30 = tpu.memref_squeeze %dma_start3A_29 : memref<1x80xi32, #tpu.memory_space<vmem>> -> memref<80xi32, #tpu.memory_space<vmem>>
    %dma_start3A_31 = arith.constant 0 : i32
    %dma_start3A_32 = arith.constant 0 : i32
    %dma_start3A_33 = tpu.memref_slice %arg8[%dma_start3A_31, %dma_start3A_32] : memref<10112x128xf32, #tpu.memory_space<vmem_shared>> -> memref<10112x128xf32, #tpu.memory_space<vmem_shared>>
    tpu.enqueue_indirect_dma source(%arg7 : memref<80x128xf32, #tpu.memory_space<vmem>>) target(%dma_start3A_33 : memref<10112x128xf32, #tpu.memory_space<vmem_shared>>) offsets(%dma_start3A_30 : memref<80xi32, #tpu.memory_space<vmem>>) semaphore(%arg9 : memref<!tpu.dma_semaphore, #tpu.memory_space<semaphore_mem>>) {add = true}
    %dma_wait3A_34 = arith.constant 123 : i32
    %dma_wait3A_35 = arith.constant 0 : i32
    %dma_wait3A_36 = tpu.memref_slice %arg6[%dma_wait3A_34, %dma_wait3A_35] : memref<125x80xi32, #tpu.memory_space<vmem>> -> memref<1x80xi32, #tpu.memory_space<vmem>>
    %dma_wait3A_37 = tpu.memref_squeeze %dma_wait3A_36 : memref<1x80xi32, #tpu.memory_space<vmem>> -> memref<80xi32, #tpu.memory_space<vmem>>
    %dma_wait3A_38 = arith.constant 0 : i32
    %dma_wait3A_39 = arith.constant 0 : i32
    %dma_wait3A_40 = tpu.memref_slice %arg8[%dma_wait3A_38, %dma_wait3A_39] : memref<10112x128xf32, #tpu.memory_space<vmem_shared>> -> memref<10112x128xf32, #tpu.memory_space<vmem_shared>>
    tpu.wait_indirect_dma semaphore(%arg10 : memref<!tpu.dma_semaphore, #tpu.memory_space<semaphore_mem>>) src(%arg7 : memref<80x128xf32, #tpu.memory_space<vmem>>) dst(%dma_wait3A_40 : memref<10112x128xf32, #tpu.memory_space<vmem_shared>>)
    %dma_wait3A_41 = arith.constant 124 : i32
    %dma_wait3A_42 = arith.constant 0 : i32
    %dma_wait3A_43 = tpu.memref_slice %arg6[%dma_wait3A_41, %dma_wait3A_42] : memref<125x80xi32, #tpu.memory_space<vmem>> -> memref<1x80xi32, #tpu.memory_space<vmem>>
    %dma_wait3A_44 = tpu.memref_squeeze %dma_wait3A_43 : memref<1x80xi32, #tpu.memory_space<vmem>> -> memref<80xi32, #tpu.memory_space<vmem>>
    %dma_wait3A_45 = arith.constant 0 : i32
    %dma_wait3A_46 = arith.constant 0 : i32
    %dma_wait3A_47 = tpu.memref_slice %arg8[%dma_wait3A_45, %dma_wait3A_46] : memref<10112x128xf32, #tpu.memory_space<vmem_shared>> -> memref<10112x128xf32, #tpu.memory_space<vmem_shared>>
    tpu.wait_indirect_dma semaphore(%arg9 : memref<!tpu.dma_semaphore, #tpu.memory_space<semaphore_mem>>) src(%arg7 : memref<80x128xf32, #tpu.memory_space<vmem>>) dst(%dma_wait3A_47 : memref<10112x128xf32, #tpu.memory_space<vmem_shared>>)
    %barrier3A_48 = arith.constant 0 : index
    tpu.barrier barrier_id(%barrier3A_48)
    "tpu.region"() ({
      %run_scoped3A = tpu.sem_alloc : memref<!tpu.dma_semaphore, #tpu.memory_space<semaphore_mem>>
      %dma_start3A_49 = arith.constant 0 : i32
      %dma_start3A_50 = tpu.memref_slice %arg5[%arg0, %mul3A_2, %dma_start3A_49] : memref<2x10112x128xf32, #tpu.memory_space<hbm>> -> memref<1x632x128xf32, #tpu.memory_space<hbm>>
      %dma_start3A_51 = tpu.memref_squeeze %dma_start3A_50 : memref<1x632x128xf32, #tpu.memory_space<hbm>> -> memref<632x128xf32, #tpu.memory_space<hbm>>
      %dma_start3A_52 = arith.constant 0 : i32
      %dma_start3A_53 = tpu.memref_slice %arg8[%mul3A_2, %dma_start3A_52] : memref<10112x128xf32, #tpu.memory_space<vmem_shared>> -> memref<632x128xf32, #tpu.memory_space<vmem_shared>>
      tpu.enqueue_dma source(%dma_start3A_53 : memref<632x128xf32, #tpu.memory_space<vmem_shared>>) target(%dma_start3A_51 : memref<632x128xf32, #tpu.memory_space<hbm>>) target_semaphore(%run_scoped3A : memref<!tpu.dma_semaphore, #tpu.memory_space<semaphore_mem>>)
      %dma_wait3A_54 = arith.constant 0 : i32
      %dma_wait3A_55 = tpu.memref_slice %arg5[%arg0, %mul3A_2, %dma_wait3A_54] : memref<2x10112x128xf32, #tpu.memory_space<hbm>> -> memref<1x632x128xf32, #tpu.memory_space<hbm>>
      %dma_wait3A_56 = tpu.memref_squeeze %dma_wait3A_55 : memref<1x632x128xf32, #tpu.memory_space<hbm>> -> memref<632x128xf32, #tpu.memory_space<hbm>>
      %dma_wait3A_57 = arith.constant 0 : i32
      %dma_wait3A_58 = tpu.memref_slice %arg8[%mul3A_2, %dma_wait3A_57] : memref<10112x128xf32, #tpu.memory_space<vmem_shared>> -> memref<632x128xf32, #tpu.memory_space<vmem_shared>>
      tpu.wait_dma2 semaphore(%run_scoped3A : memref<!tpu.dma_semaphore, #tpu.memory_space<semaphore_mem>>) src(%dma_wait3A_58 : memref<632x128xf32, #tpu.memory_space<vmem_shared>>) dst(%dma_wait3A_56 : memref<632x128xf32, #tpu.memory_space<hbm>>)
      tpu.yield
    }) : () -> ()
    return
  }
}

module attributes {stable_mosaic.version = 14 : i64} {
  func.func @_mm_pre_body(%arg0: i32, %arg1: memref<632x128xf32, #tpu.memory_space<vmem>>, %arg2: memref<128x128xf32, #tpu.memory_space<vmem>>, %arg3: memref<128x128xf32, #tpu.memory_space<vmem>>, %arg4: memref<1x128xf32, #tpu.memory_space<vmem>>, %arg5: memref<632x128xf32, #tpu.memory_space<vmem>>, %arg6: memref<632x128xf32, #tpu.memory_space<vmem>>) attributes {dimension_semantics = [#tpu.dimension_semantics<arbitrary>], iteration_bounds = array<i64: 16>, scalar_prefetch = 0 : i64, scratch_operands = 0 : i64, tpu.core_type = #tpu.core_type<tc>, window_params = [{transform_indices = @transform_0, window_bounds = array<i64: 632, 128>}, {pipeline_mode = #tpu.pipeline_mode<synchronous>, transform_indices = @transform_1, window_bounds = array<i64: 128, 128>}, {pipeline_mode = #tpu.pipeline_mode<synchronous>, transform_indices = @transform_2, window_bounds = array<i64: 128, 128>}, {pipeline_mode = #tpu.pipeline_mode<synchronous>, transform_indices = @transform_3, window_bounds = array<i64: 1, 128>}, {transform_indices = @transform_4, window_bounds = array<i64: 632, 128>}, {transform_indices = @transform_5, window_bounds = array<i64: 632, 128>}]} {
    %get3A = arith.constant 0 : index
    %get3A_0 = arith.constant 0 : index
    %get3A_1 = vector.load %arg1[%get3A, %get3A_0] : memref<632x128xf32, #tpu.memory_space<vmem>>, vector<632x128xf32>
    %get3A_2 = arith.constant 0 : index
    %get3A_3 = arith.constant 0 : index
    %get3A_4 = vector.load %arg2[%get3A_2, %get3A_3] : memref<128x128xf32, #tpu.memory_space<vmem>>, vector<128x128xf32>
    %dot_general3A = arith.constant dense<0.000000e+00> : vector<632x128xf32>
    %dot_general3A_5 = tpu.matmul %get3A_1, %get3A_4, %dot_general3A {dimension_numbers = #tpu.dot_dimension_numbers<[1], [1], [0], [0], [0, 0, 1, 0], [], []>, transpose_lhs_hint = false} : vector<632x128xf32>, vector<128x128xf32>, vector<632x128xf32> -> vector<632x128xf32>
    %swap3A = arith.constant 0 : index
    %swap3A_6 = arith.constant 0 : index
    %swap3A_7 = vector.load %arg5[%swap3A, %swap3A_6] : memref<632x128xf32, #tpu.memory_space<vmem>>, vector<632x128xf32>
    tpu.vector_store %arg5[%swap3A, %swap3A_6], %dot_general3A_5 {strides = array<i32>} : memref<632x128xf32, #tpu.memory_space<vmem>>, vector<632x128xf32>,
    %get3A_8 = arith.constant 0 : index
    %get3A_9 = arith.constant 0 : index
    %get3A_10 = vector.load %arg3[%get3A_8, %get3A_9] : memref<128x128xf32, #tpu.memory_space<vmem>>, vector<128x128xf32>
    %dot_general3A_11 = arith.constant dense<0.000000e+00> : vector<632x128xf32>
    %dot_general3A_12 = tpu.matmul %get3A_1, %get3A_10, %dot_general3A_11 {dimension_numbers = #tpu.dot_dimension_numbers<[1], [1], [0], [0], [0, 0, 1, 0], [], []>, transpose_lhs_hint = false} : vector<632x128xf32>, vector<128x128xf32>, vector<632x128xf32> -> vector<632x128xf32>
    %get3A_13 = arith.constant 0 : index
    %get3A_14 = arith.constant 0 : index
    %get3A_15 = vector.load %arg4[%get3A_13, %get3A_14] : memref<1x128xf32, #tpu.memory_space<vmem>>, vector<1x128xf32>
    %add3A = vector.broadcast %get3A_15 : vector<1x128xf32> to vector<632x128xf32>
    %add3A_16 = arith.addf %dot_general3A_12, %add3A : vector<632x128xf32>
    %swap3A_17 = arith.constant 0 : index
    %swap3A_18 = arith.constant 0 : index
    %swap3A_19 = vector.load %arg6[%swap3A_17, %swap3A_18] : memref<632x128xf32, #tpu.memory_space<vmem>>, vector<632x128xf32>
    tpu.vector_store %arg6[%swap3A_17, %swap3A_18], %add3A_16 {strides = array<i32>} : memref<632x128xf32, #tpu.memory_space<vmem>>, vector<632x128xf32>,
    return
  }
  func.func @transform_0(%arg0: i32) -> (i32, i32) {
    %c0_i32 = arith.constant 0 : i32
    %c0_i32_0 = arith.constant 0 : i32
    return %arg0, %c0_i32 : i32, i32
  }
  func.func @transform_1(%arg0: i32) -> (i32, i32) {
    %c0_i32 = arith.constant 0 : i32
    %c0_i32_0 = arith.constant 0 : i32
    %c0_i32_1 = arith.constant 0 : i32
    return %c0_i32, %c0_i32_0 : i32, i32
  }
  func.func @transform_2(%arg0: i32) -> (i32, i32) {
    %c0_i32 = arith.constant 0 : i32
    %c0_i32_0 = arith.constant 0 : i32
    %c0_i32_1 = arith.constant 0 : i32
    return %c0_i32, %c0_i32_0 : i32, i32
  }
  func.func @transform_3(%arg0: i32) -> (i32, i32) {
    %c0_i32 = arith.constant 0 : i32
    %c0_i32_0 = arith.constant 0 : i32
    %c0_i32_1 = arith.constant 0 : i32
    return %c0_i32, %c0_i32_0 : i32, i32
  }
  func.func @transform_4(%arg0: i32) -> (i32, i32) {
    %c0_i32 = arith.constant 0 : i32
    %c0_i32_0 = arith.constant 0 : i32
    return %arg0, %c0_i32 : i32, i32
  }
  func.func @transform_5(%arg0: i32) -> (i32, i32) {
    %c0_i32 = arith.constant 0 : i32
    %c0_i32_0 = arith.constant 0 : i32
    return %arg0, %c0_i32 : i32, i32
  }
}

module attributes {stable_mosaic.version = 14 : i64} {
  func.func @_final_body(%arg0: i32, %arg1: memref<2x1000x128xf32, #tpu.memory_space<vmem>>, %arg2: memref<2x1000x128xf32, #tpu.memory_space<vmem>>, %arg3: memref<1000x128xf32, #tpu.memory_space<vmem>>, %arg4: memref<1000x128xf32, #tpu.memory_space<vmem>>) attributes {dimension_semantics = [#tpu.dimension_semantics<arbitrary>], iteration_bounds = array<i64: 10>, scalar_prefetch = 0 : i64, scratch_operands = 0 : i64, tpu.core_type = #tpu.core_type<tc>, window_params = [{transform_indices = @transform_0, window_bounds = array<i64: 2, 1000, 128>}, {transform_indices = @transform_1, window_bounds = array<i64: 2, 1000, 128>}, {transform_indices = @transform_2, window_bounds = array<i64: 1000, 128>}, {transform_indices = @transform_3, window_bounds = array<i64: 1000, 128>}]} {
    %get3A = arith.constant 0 : index
    %get3A_0 = arith.constant 0 : index
    %get3A_1 = arith.constant 0 : index
    %get3A_2 = vector.load %arg1[%get3A, %get3A_0, %get3A_1] : memref<2x1000x128xf32, #tpu.memory_space<vmem>>, vector<1x1000x128xf32>
    %get3A_3 = vector.shape_cast %get3A_2 : vector<1x1000x128xf32> to vector<1000x128xf32>
    %get3A_4 = arith.constant 1 : index
    %get3A_5 = arith.constant 0 : index
    %get3A_6 = arith.constant 0 : index
    %get3A_7 = vector.load %arg1[%get3A_4, %get3A_5, %get3A_6] : memref<2x1000x128xf32, #tpu.memory_space<vmem>>, vector<1x1000x128xf32>
    %get3A_8 = vector.shape_cast %get3A_7 : vector<1x1000x128xf32> to vector<1000x128xf32>
    %add3A = arith.addf %get3A_3, %get3A_8 : vector<1000x128xf32>
    %get3A_9 = arith.constant 0 : index
    %get3A_10 = arith.constant 0 : index
    %get3A_11 = arith.constant 0 : index
    %get3A_12 = vector.load %arg2[%get3A_9, %get3A_10, %get3A_11] : memref<2x1000x128xf32, #tpu.memory_space<vmem>>, vector<1x1000x1xf32>
    %get3A_13 = vector.shape_cast %get3A_12 : vector<1x1000x1xf32> to vector<1000x1xf32>
    %get3A_14 = arith.constant 1 : index
    %get3A_15 = arith.constant 0 : index
    %get3A_16 = arith.constant 0 : index
    %get3A_17 = vector.load %arg2[%get3A_14, %get3A_15, %get3A_16] : memref<2x1000x128xf32, #tpu.memory_space<vmem>>, vector<1x1000x1xf32>
    %get3A_18 = vector.shape_cast %get3A_17 : vector<1x1000x1xf32> to vector<1000x1xf32>
    %add3A_19 = arith.addf %get3A_13, %get3A_18 : vector<1000x1xf32>
    %max3A = arith.constant 1.000000e+00 : f32
    %max3A_20 = vector.broadcast %max3A : f32 to vector<1000x1xf32>
    %max3A_21 = arith.maximumf %add3A_19, %max3A_20 : vector<1000x1xf32>
    %div3A = vector.broadcast %max3A_21 : vector<1000x1xf32> to vector<1000x128xf32>
    %div3A_22 = arith.divf %add3A, %div3A : vector<1000x128xf32>
    %get3A_23 = arith.constant 0 : index
    %get3A_24 = arith.constant 0 : index
    %get3A_25 = vector.load %arg3[%get3A_23, %get3A_24] : memref<1000x128xf32, #tpu.memory_space<vmem>>, vector<1000x128xf32>
    %add3A_26 = arith.addf %div3A_22, %get3A_25 : vector<1000x128xf32>
    %swap3A = arith.constant 0 : index
    %swap3A_27 = arith.constant 0 : index
    %swap3A_28 = vector.load %arg4[%swap3A, %swap3A_27] : memref<1000x128xf32, #tpu.memory_space<vmem>>, vector<1000x128xf32>
    tpu.vector_store %arg4[%swap3A, %swap3A_27], %add3A_26 {strides = array<i32>} : memref<1000x128xf32, #tpu.memory_space<vmem>>, vector<1000x128xf32>,
    return
  }
  func.func @transform_0(%arg0: i32) -> (i32, i32, i32) {
    %c0_i32 = arith.constant 0 : i32
    %c0_i32_0 = arith.constant 0 : i32
    %c0_i32_1 = arith.constant 0 : i32
    return %c0_i32, %arg0, %c0_i32_0 : i32, i32, i32
  }
  func.func @transform_1(%arg0: i32) -> (i32, i32, i32) {
    %c0_i32 = arith.constant 0 : i32
    %c0_i32_0 = arith.constant 0 : i32
    %c0_i32_1 = arith.constant 0 : i32
    return %c0_i32, %arg0, %c0_i32_0 : i32, i32, i32
  }
  func.func @transform_2(%arg0: i32) -> (i32, i32) {
    %c0_i32 = arith.constant 0 : i32
    %c0_i32_0 = arith.constant 0 : i32
    return %arg0, %c0_i32 : i32, i32
  }
  func.func @transform_3(%arg0: i32) -> (i32, i32) {
    %c0_i32 = arith.constant 0 : i32
    %c0_i32_0 = arith.constant 0 : i32
    return %arg0, %c0_i32 : i32, i32
  }
}

module attributes {stable_mosaic.version = 14 : i64} {
  func.func @_mid_body(%arg0: i32, %arg1: memref<2x632x128xf32, #tpu.memory_space<vmem>>, %arg2: memref<2x632x128xf32, #tpu.memory_space<vmem>>, %arg3: memref<632x128xf32, #tpu.memory_space<vmem>>, %arg4: memref<128x128xf32, #tpu.memory_space<vmem>>, %arg5: memref<128x128xf32, #tpu.memory_space<vmem>>, %arg6: memref<1x128xf32, #tpu.memory_space<vmem>>, %arg7: memref<632x128xf32, #tpu.memory_space<vmem>>, %arg8: memref<632x128xf32, #tpu.memory_space<vmem>>) attributes {dimension_semantics = [#tpu.dimension_semantics<arbitrary>], iteration_bounds = array<i64: 16>, scalar_prefetch = 0 : i64, scratch_operands = 0 : i64, tpu.core_type = #tpu.core_type<tc>, window_params = [{transform_indices = @transform_0, window_bounds = array<i64: 2, 632, 128>}, {transform_indices = @transform_1, window_bounds = array<i64: 2, 632, 128>}, {transform_indices = @transform_2, window_bounds = array<i64: 632, 128>}, {pipeline_mode = #tpu.pipeline_mode<synchronous>, transform_indices = @transform_3, window_bounds = array<i64: 128, 128>}, {pipeline_mode = #tpu.pipeline_mode<synchronous>, transform_indices = @transform_4, window_bounds = array<i64: 128, 128>}, {pipeline_mode = #tpu.pipeline_mode<synchronous>, transform_indices = @transform_5, window_bounds = array<i64: 1, 128>}, {transform_indices = @transform_6, window_bounds = array<i64: 632, 128>}, {transform_indices = @transform_7, window_bounds = array<i64: 632, 128>}]} {
    %get3A = arith.constant 0 : index
    %get3A_0 = arith.constant 0 : index
    %get3A_1 = arith.constant 0 : index
    %get3A_2 = vector.load %arg1[%get3A, %get3A_0, %get3A_1] : memref<2x632x128xf32, #tpu.memory_space<vmem>>, vector<1x632x128xf32>
    %get3A_3 = vector.shape_cast %get3A_2 : vector<1x632x128xf32> to vector<632x128xf32>
    %get3A_4 = arith.constant 1 : index
    %get3A_5 = arith.constant 0 : index
    %get3A_6 = arith.constant 0 : index
    %get3A_7 = vector.load %arg1[%get3A_4, %get3A_5, %get3A_6] : memref<2x632x128xf32, #tpu.memory_space<vmem>>, vector<1x632x128xf32>
    %get3A_8 = vector.shape_cast %get3A_7 : vector<1x632x128xf32> to vector<632x128xf32>
    %add3A = arith.addf %get3A_3, %get3A_8 : vector<632x128xf32>
    %get3A_9 = arith.constant 0 : index
    %get3A_10 = arith.constant 0 : index
    %get3A_11 = arith.constant 0 : index
    %get3A_12 = vector.load %arg2[%get3A_9, %get3A_10, %get3A_11] : memref<2x632x128xf32, #tpu.memory_space<vmem>>, vector<1x632x1xf32>
    %get3A_13 = vector.shape_cast %get3A_12 : vector<1x632x1xf32> to vector<632x1xf32>
    %get3A_14 = arith.constant 1 : index
    %get3A_15 = arith.constant 0 : index
    %get3A_16 = arith.constant 0 : index
    %get3A_17 = vector.load %arg2[%get3A_14, %get3A_15, %get3A_16] : memref<2x632x128xf32, #tpu.memory_space<vmem>>, vector<1x632x1xf32>
    %get3A_18 = vector.shape_cast %get3A_17 : vector<1x632x1xf32> to vector<632x1xf32>
    %add3A_19 = arith.addf %get3A_13, %get3A_18 : vector<632x1xf32>
    %max3A = arith.constant 1.000000e+00 : f32
    %max3A_20 = vector.broadcast %max3A : f32 to vector<632x1xf32>
    %max3A_21 = arith.maximumf %add3A_19, %max3A_20 : vector<632x1xf32>
    %div3A = vector.broadcast %max3A_21 : vector<632x1xf32> to vector<632x128xf32>
    %div3A_22 = arith.divf %add3A, %div3A : vector<632x128xf32>
    %get3A_23 = arith.constant 0 : index
    %get3A_24 = arith.constant 0 : index
    %get3A_25 = vector.load %arg3[%get3A_23, %get3A_24] : memref<632x128xf32, #tpu.memory_space<vmem>>, vector<632x128xf32>
    %add3A_26 = arith.addf %div3A_22, %get3A_25 : vector<632x128xf32>
    %max3A_27 = arith.constant 0.000000e+00 : f32
    %max3A_28 = vector.broadcast %max3A_27 : f32 to vector<632x128xf32>
    %max3A_29 = arith.maximumf %add3A_26, %max3A_28 : vector<632x128xf32>
    %get3A_30 = arith.constant 0 : index
    %get3A_31 = arith.constant 0 : index
    %get3A_32 = vector.load %arg4[%get3A_30, %get3A_31] : memref<128x128xf32, #tpu.memory_space<vmem>>, vector<128x128xf32>
    %dot_general3A = arith.constant dense<0.000000e+00> : vector<632x128xf32>
    %dot_general3A_33 = tpu.matmul %max3A_29, %get3A_32, %dot_general3A {dimension_numbers = #tpu.dot_dimension_numbers<[1], [1], [0], [0], [0, 0, 1, 0], [], []>, transpose_lhs_hint = false} : vector<632x128xf32>, vector<128x128xf32>, vector<632x128xf32> -> vector<632x128xf32>
    %swap3A = arith.constant 0 : index
    %swap3A_34 = arith.constant 0 : index
    %swap3A_35 = vector.load %arg7[%swap3A, %swap3A_34] : memref<632x128xf32, #tpu.memory_space<vmem>>, vector<632x128xf32>
    tpu.vector_store %arg7[%swap3A, %swap3A_34], %dot_general3A_33 {strides = array<i32>} : memref<632x128xf32, #tpu.memory_space<vmem>>, vector<632x128xf32>,
    %get3A_36 = arith.constant 0 : index
    %get3A_37 = arith.constant 0 : index
    %get3A_38 = vector.load %arg5[%get3A_36, %get3A_37] : memref<128x128xf32, #tpu.memory_space<vmem>>, vector<128x128xf32>
    %dot_general3A_39 = arith.constant dense<0.000000e+00> : vector<632x128xf32>
    %dot_general3A_40 = tpu.matmul %max3A_29, %get3A_38, %dot_general3A_39 {dimension_numbers = #tpu.dot_dimension_numbers<[1], [1], [0], [0], [0, 0, 1, 0], [], []>, transpose_lhs_hint = false} : vector<632x128xf32>, vector<128x128xf32>, vector<632x128xf32> -> vector<632x128xf32>
    %get3A_41 = arith.constant 0 : index
    %get3A_42 = arith.constant 0 : index
    %get3A_43 = vector.load %arg6[%get3A_41, %get3A_42] : memref<1x128xf32, #tpu.memory_space<vmem>>, vector<1x128xf32>
    %add3A_44 = vector.broadcast %get3A_43 : vector<1x128xf32> to vector<632x128xf32>
    %add3A_45 = arith.addf %dot_general3A_40, %add3A_44 : vector<632x128xf32>
    %swap3A_46 = arith.constant 0 : index
    %swap3A_47 = arith.constant 0 : index
    %swap3A_48 = vector.load %arg8[%swap3A_46, %swap3A_47] : memref<632x128xf32, #tpu.memory_space<vmem>>, vector<632x128xf32>
    tpu.vector_store %arg8[%swap3A_46, %swap3A_47], %add3A_45 {strides = array<i32>} : memref<632x128xf32, #tpu.memory_space<vmem>>, vector<632x128xf32>,
    return
  }
  func.func @transform_0(%arg0: i32) -> (i32, i32, i32) {
    %c0_i32 = arith.constant 0 : i32
    %c0_i32_0 = arith.constant 0 : i32
    %c0_i32_1 = arith.constant 0 : i32
    return %c0_i32, %arg0, %c0_i32_0 : i32, i32, i32
  }
  func.func @transform_1(%arg0: i32) -> (i32, i32, i32) {
    %c0_i32 = arith.constant 0 : i32
    %c0_i32_0 = arith.constant 0 : i32
    %c0_i32_1 = arith.constant 0 : i32
    return %c0_i32, %arg0, %c0_i32_0 : i32, i32, i32
  }
  func.func @transform_2(%arg0: i32) -> (i32, i32) {
    %c0_i32 = arith.constant 0 : i32
    %c0_i32_0 = arith.constant 0 : i32
    return %arg0, %c0_i32 : i32, i32
  }
  func.func @transform_3(%arg0: i32) -> (i32, i32) {
    %c0_i32 = arith.constant 0 : i32
    %c0_i32_0 = arith.constant 0 : i32
    %c0_i32_1 = arith.constant 0 : i32
    return %c0_i32, %c0_i32_0 : i32, i32
  }
  func.func @transform_4(%arg0: i32) -> (i32, i32) {
    %c0_i32 = arith.constant 0 : i32
    %c0_i32_0 = arith.constant 0 : i32
    %c0_i32_1 = arith.constant 0 : i32
    return %c0_i32, %c0_i32_0 : i32, i32
  }
  func.func @transform_5(%arg0: i32) -> (i32, i32) {
    %c0_i32 = arith.constant 0 : i32
    %c0_i32_0 = arith.constant 0 : i32
    %c0_i32_1 = arith.constant 0 : i32
    return %c0_i32, %c0_i32_0 : i32, i32
  }
  func.func @transform_6(%arg0: i32) -> (i32, i32) {
    %c0_i32 = arith.constant 0 : i32
    %c0_i32_0 = arith.constant 0 : i32
    return %arg0, %c0_i32 : i32, i32
  }
  func.func @transform_7(%arg0: i32) -> (i32, i32) {
    %c0_i32 = arith.constant 0 : i32
    %c0_i32_0 = arith.constant 0 : i32
    return %arg0, %c0_i32 : i32, i32
  }
}

</mosaic_0001>

<sc_bundles>
// kernel: kernel.11.cloned.1.call-start
scs
__scs_entry_jumppad:
0x0: {  	(pc) =	sbr.rel $0x88, $3  }
0x1: {  	(tag) =	ssettag $0x0;
	lr =	simm.s32 $0x1  }
0x2: {  	[smem:$0x3F99] =	sst lr;
	_ =	strace $0xD0000000  }
0x3: {  	_ = 	snop  }
0x4: {  	_ = 	snop  }
0x5: {  	_ = 	snop  }
0x6: {  	_ = 	snop  }
0x7: {  	_ = 	snop  }
__scs_overlays_trampoline_lowered:
0x8: {  	[smem:$0x3FA8] =	sst s0  }
0x9: {  	[smem:$0x3FA9] =	sst s1  }
0xa: {  	[smem:$0x3FAA] =	sst s2  }
0xb: {  	[smem:$0x3FAB] =	sst s3  }
0xc: {  	[smem:$0x3FAC] =	sst s4  }
0xd: {  	[smem:$0x3FAD] =	sst s5  }
0xe: {  	[smem:$0x3FAE] =	sst s6  }
0xf: {  	[smem:$0x3FAF] =	sst s7  }
0x10: {  	[smem:$0x3FB0] =	sst s8  }
0x11: {  	[smem:$0x3FB1] =	sst s9;
	s0 =	simm.s32 @!p0 $0x0  }
0x12: {  	s1 =	sld [smem:$0x3F97];
	s0 =	simm.s32 @p0 $0x1  }
0x13: {  	[smem:$0x3FB2] =	sst s0;
	s0 =	simm.s32 @!p1 $0x0  }
0x14: {  	s2 =	sld [smem:$0x3F96];
	s0 =	simm.s32 @p1 $0x1  }
0x15: {  	[smem:$0x3FB3] =	sst s0;
	s0 =	simm.s32 @!p2 $0x0  }
0x16: {  	s3 =	sld [smem:$0x3FDB];
	s0 =	simm.s32 @p2 $0x1  }
0x17: {  	s4 =	simm.s32 $0x1BF5;
	[smem:$0x3FB5] =	sst s0  }
0x18: {  	s0 =	sld [smem:$0x3F98];
	_ =	swait.ge [sflag:s4], $0x0  }
0x19: {  	s7 =	sld [smem:$0x3F99]  }
0x1a: {  	s8 =	sadd.s32 $0xFFFFE003, lr  }
0x1b: {  	s9 =	sadd.s32 $0xFFFFFEF7, lr;
	s5 =	simm.s32 $0xFFFFFFFF;
	p2 =	slt.u32 s8, $0xFFFFF086  }
0x1c: {  	p1 =	slt.u32 s9, $0xF7A;
	s5 =	simm.s32 @!p2 $0x0  }
0x1d: {  	s5 =	simm.s32 @p1 $0x1;
	p0 =	seq.s32 s7, s2  }
0x1e: {  	s7 =	smul.u32 @!p0 $0xF7A, s2;
	p2 =	seq.s32 @!p0 s5, $0x0  }
0x1f: {  	s9 =	smul.u32 $0xF7A, s1;
	s8 =	simm.s32 @!p0 $0x1BF5;
	p2 =	por !p2, p0  }
0x20: {  	[sflag:s8] =	ssyncset.s32 @!p0 $0xFFFFF086;
	s6 =	sadd.s32 @!p0 s3, s7;
	s7 =	simm.s32 @!p0 $0x108  }
0x21: {  	s3 =	sadd.s32 s3, s9;
	s6 =	sadd.s32 @!p0 $0x88, s6;
	s7 =	simm.s32 @p2 $0x1082  }
0x22: {  	[simem:s7], [sflag:s8] =	dma.local @!p0 [hbm:s6], $0xF7A  }
0x23: {  	s9 =	sor.u32 $0xD0000000, s2;
	s6 =	simm.s32 $0x108;
	_ =	swait.ge @!p0 [sflag:s8], $0x0  }
0x24: {  	s3 =	sadd.s32 $0x88, s3;
	s6 =	simm.s32 @!p1 $0x1082;
	[sflag:s4] =	ssyncset.s32 $0xFFFFF086  }
0x25: {  	[simem:s6], [sflag:s4] =	dma.local [hbm:s3], $0xF7A  }
0x26: {  	[smem:$0x3F99] =	sst s1;
	(tag) =	ssettag s2;
	_ =	strace s9  }
0x27: {  	s1 =	sld [smem:$0x3FA9]  }
0x28: {  	s2 =	sld [smem:$0x3FAA]  }
0x29: {  	s4 =	sld [smem:$0x3FAC]  }
0x2a: {  	p0 =	seq.s32 s5, $0x0;
	s5 =	sld [smem:$0x3FAD]  }
0x2b: {  	s6 =	sld [smem:$0x3FAE]  }
0x2c: {  	s7 =	sld [smem:$0x3FAF]  }
0x2d: {  	s3 =	simm.s32 $0x108;
	s8 =	sld [smem:$0x3FB0]  }
0x2e: {  	s3 =	simm.s32 @!p0 $0x1082;
	s9 =	sld [smem:$0x3FB1]  }
0x2f: {  	lr =	sadd.s32 s0, s3;
	s0 =	sld [smem:$0x3FA8]  }
0x30: {  	s3 =	sld [smem:$0x3FAB]  }
0x31: {  	[smem:$0x3FB4] =	sst s10  }
0x32: {  	s10 =	sld [smem:$0x3FB2];
	_ =	sdelay $0x3  }
0x33: {  	p0 =	seq.s32 s10, $0x1;
	s10 =	sld [smem:$0x3FB4];
	_ =	sdelay $0x3  }
0x34: {  	[smem:$0x3FB4] =	sst s10  }
0x35: {  	s10 =	sld [smem:$0x3FB3];
	_ =	sdelay $0x3  }
0x36: {  	p1 =	seq.s32 s10, $0x1;
	s10 =	sld [smem:$0x3FB4];
	_ =	sdelay $0x3  }
0x37: {  	[smem:$0x3FB4] =	sst s10  }
0x38: {  	s10 =	sld [smem:$0x3FB5]  }
0x39: {  	_ = 	snop;
	(pc) =	sbr.ind lr, $3  }
0x3a: {  	_ = 	snop  }
0x3b: {  	_ = 	snop  }
0x3c: {  	p2 =	seq.s32 s10, $0x1;
	s10 =	sld [smem:$0x3FB4]  }
0x3d: {  	_ =	shalt  }
0x3e: {  	_ =	shalt  }
0x3f: {  	_ =	shalt  }
0x40: {  	_ =	shalt  }
0x41: {  	_ =	shalt  }
0x42: {  	_ =	shalt  }
0x43: {  	_ =	shalt  }
0x44: {  	_ =	shalt  }
0x45: {  	_ =	shalt  }
0x46: {  	_ =	shalt  }
0x47: {  	_ =	shalt  }
0x48: {  	_ =	shalt  }
0x49: {  	_ =	shalt  }
0x4a: {  	_ =	shalt  }
0x4b: {  	_ =	shalt  }
0x4c: {  	_ =	shalt  }
0x4d: {  	_ =	shalt  }
0x4e: {  	_ =	shalt  }
0x4f: {  	_ =	shalt  }
0x50: {  	_ =	shalt  }
0x51: {  	_ =	shalt  }
0x52: {  	_ =	shalt  }
0x53: {  	_ =	shalt  }
0x54: {  	_ =	shalt  }
0x55: {  	_ =	shalt  }
0x56: {  	_ =	shalt  }
0x57: {  	_ =	shalt  }
0x58: {  	_ =	shalt  }
0x59: {  	_ =	shalt  }
0x5a: {  	_ =	shalt  }
0x5b: {  	_ =	shalt  }
0x5c: {  	_ =	shalt  }
0x5d: {  	_ =	shalt  }
0x5e: {  	_ =	shalt  }
0x5f: {  	_ =	shalt  }
0x60: {  	_ =	shalt  }
0x61: {  	_ =	shalt  }
0x62: {  	_ =	shalt  }
0x63: {  	_ =	shalt  }
0x64: {  	_ =	shalt  }
0x65: {  	_ =	shalt  }
0x66: {  	_ =	shalt  }
0x67: {  	_ =	shalt  }
0x68: {  	_ =	shalt  }
0x69: {  	_ =	shalt  }
0x6a: {  	_ =	shalt  }
0x6b: {  	_ =	shalt  }
0x6c: {  	_ =	shalt  }
0x6d: {  	_ =	shalt  }
0x6e: {  	_ =	shalt  }
0x6f: {  	_ =	shalt  }
0x70: {  	_ =	shalt  }
0x71: {  	_ =	shalt  }
0x72: {  	_ =	shalt  }
0x73: {  	_ =	shalt  }
0x74: {  	_ =	shalt  }
0x75: {  	_ =	shalt  }
0x76: {  	_ =	shalt  }
0x77: {  	_ =	shalt  }
0x78: {  	_ =	shalt  }
0x79: {  	_ =	shalt  }
0x7a: {  	_ =	shalt  }
0x7b: {  	_ =	shalt  }
0x7c: {  	_ =	shalt  }
0x7d: {  	_ =	shalt  }
0x7e: {  	_ =	shalt  }
0x7f: {  	_ =	shalt  }
0x80: {  	_ =	shalt  }
0x81: {  	_ =	shalt  }
0x82: {  	_ =	shalt  }
0x83: {  	_ =	shalt  }
0x84: {  	_ =	shalt  }
0x85: {  	_ =	shalt  }
0x86: {  	_ =	shalt  }
0x87: {  	_ =	shalt  }
.Lfunc_end0:
.L_simem_size_0:
called_computation.1_lowered:
.L_overlay_start_0:
0x88: {  	s2 =	sld [smem:$0x3FD9]  }
0x89: {  	s3 =	sld [smem:$0x3FFE];
	_ =	sdelay $0x1  }
0x8a: {  	s1 =	srdreg.scid  }
0x8b: {  	s0 =	sand.u32 $0x1, s1  }
0x8c: {  	s17 =	sshll.u32 s0, $0xA;
	s2 =	sadd.s32 s3, s2  }
0x8d: {  	s2 =	sadd.s32 s2, s17  }
0x8e: {  	[smem:$0x3FC0] =	sst s2  }
0x8f: {  	_ = 	snop  }
0x90: {  	s2 =	sld [smem:$0x3FD0];
	(tm) =	ssettm $0x1  }
0x91: {  	s18 =	sld [smem:$0x3FFB];
	_ =	sdelay $0x3  }
0x92: {  	_ =	strace s18  }
0x93: {  	s3 =	sld [smem:$0x3FFC];
	_ =	sdelay $0x3  }
0x94: {  	_ =	strace s3  }
0x95: {  	s3 =	sld [smem:$0x3FFD];
	_ =	sdelay $0x3  }
0x96: {  	_ =	strace s3  }
0x97: {  	_ =	strace $0x8FFFFFFF  }
0x98: {  	s19 =	sld [smem:$0x3FDB];
	_ =	sdelay $0x1  }
0x99: {  	s4 =	simm.s32 $_scs_section_size  }
0x9a: {  	s5 =	simm.s32 $_size__tile_overlayer_lowered;
	s6 =	simm.s32 $_tile_overlayer_lowered  }
0x9b: {  	s22 =	simm.s32 $0x1BFF;
	s21 =	sshll.u32 s6, $0x1;
	s3 =	sadd.s32 s4, s19  }
0x9c: {  	s7 =	simm.s32 $0x0;
	s20 =	sshll.u32 s5, $0x1;
	s5 =	sadd.s32 s21, s3  }
0x9d: {  	[timem:s7], [sflag:s22] =	dma.local [hbm:s5], s20  }
0x9e: {  	_ =	swait.ge [sflag:s22], s20  }
0x9f: {  	s4 =	ssub.s32 $0x0, s20;
	[sflag:s22] =	ssyncset.done $0x0  }
0xa0: {  	[sflag:s22] =	ssyncadd.s32 s4;
	_ =	sdelay $0x1  }
0xa1: {  	s23 =	simm.s32 $0x1B8B  }
0xa2: {  	_ =	swait.ge [sflag:s23], $0x1  }
0xa3: {  	[sflag:s23] =	ssyncset.done $0x0  }
0xa4: {  	s25 =	simm.s32 $0x1B8E;
	s24 =	sld [smem:$0x3FFE];
	[sflag:s23] =	ssyncadd.s32 $0xFFFFFFFF  }
0xa5: {  	s26 =	simm.s32 $execute0_lowered;
	[smem:$0x3FD2] =	sst s25  }
0xa6: {  	s5 =	sshll.u32 s26, $0x1;
	_ =	strace $0x80000046;
	[dreg:$0x1] =	wrdreg $0xFFFFFFFF  }
0xa7: {  	s28 =	simm.s32 $_size_execute0_lowered;
	s3 =	sadd.s32 s3, s5;
	[dreg:$0x0] =	wrdreg $0x0  }
0xa8: {  	s5 =	sshll.u32 s28, $0x1;
	[dreg:$0x2] =	wrdreg s3  }
0xa9: {  	[dreg:$0x3] =	wrdreg s5  }
0xaa: {  	[dreg:$0x4] =	wrdreg $0xC0  }
0xab: {  	_ =	task [dreg:s7], $0x5FFFF  }
0xac: {  	[dreg:$0x1] =	wrdreg $0xFFFFFFFF  }
0xad: {  	[dreg:$0x0] =	wrdreg $0x60  }
0xae: {  	[dreg:$0x2] =	wrdreg s24  }
0xaf: {  	[dreg:$0x3] =	wrdreg s2  }
0xb0: {  	[dreg:$0x4] =	wrdreg $0xB7800  }
0xb1: {  	[dreg:$0x5] =	wrdreg $0xA  }
0xb2: {  	_ =	task.clear_ibuf [dreg:s7], $0x6FFFF;
	_ =	strace $0x90000046  }
0xb3: {  	s29 =	simm.s32 $0xA;
	_ =	strace $0x80000048  }
0xb4: {  	_ =	swait.ge [sflag:s29], $0x1  }
0xb5: {  	[sflag:s29] =	ssyncadd.s32 $0xFFFFFFFF  }
0xb6: {  	_ =	strace $0x90000048  }
0xb7: {  	_ =	sfence  }
0xb8: {  	s30 =	sld [smem:$0x0];
	_ =	sdelay $0x2  }
0xb9: {  	s31 =	sshll.u32 s1, $0xD;
	s1 =	sshrl.u32 s1, $0x2  }
0xba: {  	s3 =	sand.u32 $0x4000, s31;
	s1 =	sadd.s32 s1, s30  }
0xbb: {  	s0 =	sor.u32 s3, s0;
	s1 =	sshll.u32 s1, $0x11  }
0xbc: {  	s0 =	sor.u32 s1, s0  }
0xbd: {  	s0 =	sadd.s32 $0x8F2B, s0  }
0xbe: {  	[sflag:s0] =	ssyncadd.remote.s32 $0x1  }
0xbf: {  	_ =	sfence.sel $0xFFFF  }
0xc0: {  	[dreg:$0x0] =	wrdreg $0xFFFFFFFF;
	(pc) =	sbr.abs _section_cstart, $3  }
0xc1: {  	[dreg:$0x1] =	wrdreg $0xFFFFFFFF  }
0xc2: {  	_ =	task.clear_ibuf [dreg:s7], $0x2FFFF;
	_ =	strace $0x9FFFFFFF  }
0xc3: {  	(tm) =	ssettm $0x7FFFFFFF  }
tec
execute0_lowered:
.L_overlay_start_1:
0x0: {  	(tag) =	ssettag $0x1  }
0x1: {  	s6 =	rddreg [dreg:$0x0]  }
0x2: {  	s0 =	srdreg.scid;
	s7 =	rddreg [dreg:$0x1]  }
0x3: {  	s2 =	rddreg [dreg:$0x2];
	s3 =	simm.s32 $0x0;
	s14 =	simm.s32 $0x50  }
0x4: {  	s15 =	simm.s32 $0x6780;
	s16 =	simm.s32 $0x1;
	s17 =	simm.s32 $0x8F80  }
0x5: {  	s18 =	simm.s32 $0x2;
	s19 =	simm.s32 $0x3;
	s20 =	simm.s32 $0x4  }
0x6: {  	s21 =	simm.s32 $0x6500;
	s22 =	simm.s32 $0x26C0;
	s23 =	simm.s32 $0x6580  }
0x7: {  	s24 =	simm.s32 $0x0;
	s5 =	sand.u32 $0x1, s0;
	s0 =	stileid.u32  }
0x8: {  	[smem:$0x7FF] =	sst s3;
	s4 =	sadd.s32 $0xBA00, s6;
	s10 =	smul.u32 $0x13C000, s5  }
0x9: {  	s1 =	sshll.u32 s5, $0x4;
	s11 =	smul.u32 $0x13C00, s0;
	s29 =	ssub.s32 $0x2, s5  }
0xa: {  	s12 =	smul.u32 $0x4F000, s0;
	s5 =	sadd.s32 $0x33200, s6;
	s31 =	sshll.u32 s0, $0x6  }
0xb: {  	s8 =	sor.u32 s0, s1;
	s1 =	rddreg [dreg:$0x3];
	_ =	strace $0x80000047  }
0xc: {  	s30 =	sshrl.u32 s29, $0x1;
	s9 =	smul.u32 $0x4E2, s8;
	s10 =	sadd.s32 s11, s10  }
0xd: {  	s11 =	ssub.s32 s29, s30;
	s8 =	sshll.u32 s8, $0xB;
	s12 =	sshrl.u32 s12, $0x2  }
0xe: {  	s10 =	sshrl.u32 s10, $0x3;
	s7 =	sadd.s32 s7, s8;
	s13 =	sadd.s32 s12, s2  }
0xf: {  	s12 =	sor.u32 $0x1C05, s31;
	s9 =	sadd.s32 s9, s6;
	s10 =	sadd.s32 s10, s6  }
0x10: {  	s13 =	sshrl.u32 s13, $0x3;
	s6 =	sadd.s32 $0x1C00, s9;
	s8 =	sadd.s32 $0x35A00, s10  }
0x11: {  	s9 =	smax.u32 s11, $0x1;
	s10 =	simm.s32 $0x5;
	s11 =	simm.s32 $0x2780  }
.LBB2_1:
0x12: {  	[tilespmem:s3], [sflag:$0x5] =	stream.linear.gather [hbm4b:s6+s3], $0x2710, $0x38;
	[tilespmem:$0x1F380] =	vst v63  }
0x13: {  	_ =	swait.ge [sflag:s10], $0x2710  }
0x14: {  	[sflag:s10] =	ssyncset.done $0x0  }
0x15: {  	[sflag:s10] =	ssyncadd.s32 $0xFFFFD8F0  }
0x16: {  	[tilespmem:s11], [sflag:$0x5] =	stream.linear.gather [hbm4b:s7+s3], $0x3E80, $0x38;
	[tilespmem:$0x1F380] =	vst v63  }
0x17: {  	_ =	swait.ge [sflag:s10], $0x3E80  }
0x18: {  	[sflag:s10] =	ssyncset.done $0x0  }
0x19: {  	[sflag:s10] =	ssyncadd.s32 $0xFFFFC180  }
0x1a: {  	[spmem:s13], [sflag:s12] =	dma.local [hbm:s5], $0x2780  }
0x1b: {  	_ =	swait.ge [sflag:s10], $0x2780  }
0x1c: {  	[sflag:s10] =	ssyncset.done $0x0  }
0x1d: {  	[sflag:s10] =	ssyncadd.s32 $0xFFFFD880  }
0x1e: {  	[bflag:$0x0] =	sbarrier.arrive $0xFFFF  }
0x1f: {  	[tilespmem:s15], [sflag:$0x1] =	stream.indirect.gather [hbm4b:s4+s14], $0x80, s3, s14, $0xb8;
	[tilespmem:$0x1F380] =	vst v63  }
0x20: {  	_ =	swait.ge [sflag:s16], $0x2800  }
0x21: {  	[sflag:s16] =	ssyncset.done $0x0  }
0x22: {  	[sflag:s16] =	ssyncadd.s32 $0xFFFFD800  }
0x23: {  	[spmem:s2] =	stream.indirect.scatter.add.f32 [tilespmem:s15], [sflag:$0x3], $0x80, s11, s14, $0xb8;
	[tilespmem:$0x1F380] =	vst v63  }
0x24: {  	_ = 	snop  }
0x25: {  	[tilespmem:s17], [sflag:$0x2] =	stream.indirect.gather [hbm4b:s4+s14], $0x80, s14, s14, $0xb8;
	[tilespmem:$0x1F380] =	vst v63  }
0x26: {  	_ =	swait.ge [sflag:s18], $0x2800  }
0x27: {  	[sflag:s18] =	ssyncset.done $0x0  }
0x28: {  	[sflag:s18] =	ssyncadd.s32 $0xFFFFD800  }
0x29: {  	_ =	swait.ge [sflag:s19], $0x2800  }
0x2a: {  	[sflag:s19] =	ssyncset.done $0x0  }
0x2b: {  	s25 =	simm.s32 $0x2800;
	[sflag:s19] =	ssyncadd.s32 $0xFFFFD800  }
0x2c: {  	[spmem:s2] =	stream.indirect.scatter.add.f32 [tilespmem:s17], [sflag:$0x4], $0x80, s25, s14, $0xb8;
	[tilespmem:$0x1F380] =	vst v63  }
0x2d: {  	s30 =	simm.s32 $0xA0  }
0x2e: {  	[tilespmem:s15], [sflag:$0x1] =	stream.indirect.gather [hbm4b:s4+s14], $0x80, s30, s14, $0xb8;
	[tilespmem:$0x1F380] =	vst v63  }
0x2f: {  	_ =	swait.ge [sflag:s16], $0x2800  }
0x30: {  	[sflag:s16] =	ssyncset.done $0x0  }
0x31: {  	[sflag:s16] =	ssyncadd.s32 $0xFFFFD800  }
0x32: {  	_ =	swait.ge [sflag:s20], $0x2800  }
0x33: {  	s31 =	simm.s32 $0x2880;
	s28 =	simm.s32 $0xF0;
	[sflag:s20] =	ssyncset.done $0x0  }
0x34: {  	s26 =	simm.s32 $0x2900;
	s25 =	simm.s32 $0xFFFF6A00;
	[sflag:s20] =	ssyncadd.s32 $0xFFFFD800  }
0x35: {  	[spmem:s2] =	stream.indirect.scatter.add.f32 [tilespmem:s15], [sflag:$0x3], $0x80, s31, s14, $0xb8;
	[tilespmem:$0x1F380] =	vst v63  }
.LBB2_2:
0x36: {  	[tilespmem:s17], [sflag:$0x2] =	stream.indirect.gather [hbm4b:s4+s14], $0x80, s28, s14, $0xb8;
	[tilespmem:$0x1F380] =	vst v63  }
0x37: {  	s28 =	smov.u32 s25  }
0x38: {  	p0 =	sne.s32 s25, $0xFFFFFD80;
	s25 =	sadd.s32 $0x280, s25;
	_ =	swait.ge [sflag:s18], $0x2800  }
0x39: {  	[sflag:s18] =	ssyncset.done $0x0  }
0x3a: {  	[sflag:s18] =	ssyncadd.s32 $0xFFFFD800  }
0x3b: {  	_ =	swait.ge [sflag:s19], $0x2800  }
0x3c: {  	[sflag:s19] =	ssyncset.done $0x0  }
0x3d: {  	s28 =	sshra.s32 s28, $0x2;
	[sflag:s19] =	ssyncadd.s32 $0xFFFFD800  }
0x3e: {  	[spmem:s2] =	stream.indirect.scatter.add.f32 [tilespmem:s17], [sflag:$0x4], $0x80, s26, s14, $0xb8;
	[tilespmem:$0x1F380] =	vst v63  }
0x3f: {  	s29 =	sadd.s32 $0x26C0, s28  }
0x40: {  	[tilespmem:s15], [sflag:$0x1] =	stream.indirect.gather [hbm4b:s4+s14], $0x80, s29, s14, $0xb8;
	[tilespmem:$0x1F380] =	vst v63  }
0x41: {  	_ =	swait.ge [sflag:s16], $0x2800  }
0x42: {  	[sflag:s16] =	ssyncset.done $0x0  }
0x43: {  	[sflag:s16] =	ssyncadd.s32 $0xFFFFD800  }
.Ltmp0:
0x44: {  	_ =	swait.ge [sflag:s20], $0x2800;
	(pc) =	sbr.rel @p0 .LBB2_2-.Ltmp0, $4  }
0x45: {  	[sflag:s20] =	ssyncset.done $0x0  }
0x46: {  	s29 =	sadd.s32 $0x80, s26;
	[sflag:s20] =	ssyncadd.s32 $0xFFFFD800  }
0x47: {  	[spmem:s2] =	stream.indirect.scatter.add.f32 [tilespmem:s15], [sflag:$0x3], $0x80, s29, s14, $0xb8;
	[tilespmem:$0x1F380] =	vst v63  }
0x48: {  	s28 =	sadd.s32 $0x2710, s28;
	s26 =	sadd.s32 $0x100, s26  }
0x49: {  	[tilespmem:s17], [sflag:$0x2] =	stream.indirect.gather [hbm4b:s4+s14], $0x80, s28, s14, $0xb8;
	[tilespmem:$0x1F380] =	vst v63  }
0x4a: {  	_ =	swait.ge [sflag:s18], $0x2800  }
0x4b: {  	[sflag:s18] =	ssyncset.done $0x0  }
0x4c: {  	[sflag:s18] =	ssyncadd.s32 $0xFFFFD800  }
0x4d: {  	_ =	swait.ge [sflag:s19], $0x2800  }
0x4e: {  	[sflag:s19] =	ssyncset.done $0x0  }
0x4f: {  	[sflag:s19] =	ssyncadd.s32 $0xFFFFD800  }
0x50: {  	[spmem:s2] =	stream.indirect.scatter.add.f32 [tilespmem:s17], [sflag:$0x4], $0x80, s21, s14, $0xb8;
	[tilespmem:$0x1F380] =	vst v63  }
0x51: {  	_ = 	snop  }
0x52: {  	[tilespmem:s15], [sflag:$0x1] =	stream.indirect.gather [hbm4b:s4+s14], $0x80, s22, s14, $0xb8;
	[tilespmem:$0x1F380] =	vst v63  }
0x53: {  	_ =	swait.ge [sflag:s16], $0x2800  }
0x54: {  	[sflag:s16] =	ssyncset.done $0x0  }
0x55: {  	[sflag:s16] =	ssyncadd.s32 $0xFFFFD800  }
0x56: {  	_ =	swait.ge [sflag:s20], $0x2800  }
0x57: {  	[sflag:s20] =	ssyncset.done $0x0  }
0x58: {  	[sflag:s20] =	ssyncadd.s32 $0xFFFFD800  }
0x59: {  	[spmem:s2] =	stream.indirect.scatter.add.f32 [tilespmem:s15], [sflag:$0x3], $0x80, s23, s14, $0xb8;
	[tilespmem:$0x1F380] =	vst v63  }
0x5a: {  	_ =	swait.ge [sflag:s19], $0x2800  }
0x5b: {  	s24 =	sadd.s32 $0x1, s24;
	[sflag:s19] =	ssyncset.done $0x0  }
0x5c: {  	p0 =	sne.s32 s24, s9;
	[sflag:s19] =	ssyncadd.s32 $0xFFFFD800  }
.Ltmp1:
0x5d: {  	[bflag:$0x0] =	sbarrier.arrive $0xFFFF;
	(pc) =	sbr.rel @p0 .LBB2_1-.Ltmp1, $4  }
0x5e: {  	[hbm:s8], [sflag:s12] =	dma.local [spmem:s13], $0x2780  }
0x5f: {  	_ =	swait.ge [sflag:s10], $0x2780  }
0x60: {  	[sflag:s10] =	ssyncset.done $0x0  }
0x61: {  	[sflag:s10] =	ssyncadd.s32 $0xFFFFD880  }
0x62: {  	_ =	sfence.sel $0x180000  }
0x63: {  	[bflag:$0x0] =	sbarrier.arrive $0xFFFF  }
0x64: {  	p0 =	sne.s32 s0, $0x0;
	_ =	strace $0x90000047  }
0x65: {  	s0 =	sadd.s32 @!p0 $0x100000, s1;
	[bflag:$0x2] =	sbarrier.arrive $0xFFFF  }
0x66: {  	[sflag:s0] =	ssyncadd.tile.s32 @!p0 $0x1;
	_ =	shalt  }
.Lfunc_end2:
_tile_overlayer_lowered:
.L_overlay_start_2:
0x67: {  	(tag) =	ssettag $0x2  }
0x68: {  	s0 =	rddreg [dreg:$0x0];
	s2 =	stileid.u32  }
0x69: {  	s1 =	rddreg [dreg:$0x1];
	p0 =	sne.s32 s2, $0x0  }
0x6a: {  	s3 =	rddreg [dreg:$0x2];
	[bflag:$0x3] =	sbarrier.arrive $0xFFFF;
	s2 =	simm.s32 @!p0 $0x1C05  }
0x6b: {  	[timem:s3], [sflag:s2] =	dma.local @!p0 [hbm:s0], s1  }
0x6c: {  	s0 =	simm.s32 @!p0 $0x5  }
0x6d: {  	_ =	swait.ge @!p0 [sflag:s0], s1  }
0x6e: {  	s1 =	ssub.s32 @!p0 $0x0, s1;
	[sflag:s0] =	ssyncset.done @!p0 $0x0  }
0x6f: {  	[sflag:s0] =	ssyncadd.s32 @!p0 s1  }
0x70: {  	[bflag:$0x3] =	sbarrier.arrive $0xFFFF  }
0x71: {  	_ =	shalt  }

// kernel: kernel.14.cloned.1.call-start
scs
__scs_entry_jumppad:
0x0: {  	(pc) =	sbr.rel $0x88, $3  }
0x1: {  	(tag) =	ssettag $0x0;
	lr =	simm.s32 $0x1  }
0x2: {  	[smem:$0x3F99] =	sst lr;
	_ =	strace $0xD0000000  }
0x3: {  	_ = 	snop  }
0x4: {  	_ = 	snop  }
0x5: {  	_ = 	snop  }
0x6: {  	_ = 	snop  }
0x7: {  	_ = 	snop  }
__scs_overlays_trampoline_lowered:
0x8: {  	[smem:$0x3FA8] =	sst s0  }
0x9: {  	[smem:$0x3FA9] =	sst s1  }
0xa: {  	[smem:$0x3FAA] =	sst s2  }
0xb: {  	[smem:$0x3FAB] =	sst s3  }
0xc: {  	[smem:$0x3FAC] =	sst s4  }
0xd: {  	[smem:$0x3FAD] =	sst s5  }
0xe: {  	[smem:$0x3FAE] =	sst s6  }
0xf: {  	[smem:$0x3FAF] =	sst s7  }
0x10: {  	[smem:$0x3FB0] =	sst s8  }
0x11: {  	[smem:$0x3FB1] =	sst s9;
	s0 =	simm.s32 @!p0 $0x0  }
0x12: {  	s1 =	sld [smem:$0x3F97];
	s0 =	simm.s32 @p0 $0x1  }
0x13: {  	[smem:$0x3FB2] =	sst s0;
	s0 =	simm.s32 @!p1 $0x0  }
0x14: {  	s2 =	sld [smem:$0x3F96];
	s0 =	simm.s32 @p1 $0x1  }
0x15: {  	[smem:$0x3FB3] =	sst s0;
	s0 =	simm.s32 @!p2 $0x0  }
0x16: {  	s3 =	sld [smem:$0x3FDB];
	s0 =	simm.s32 @p2 $0x1  }
0x17: {  	s4 =	simm.s32 $0x1BF5;
	[smem:$0x3FB5] =	sst s0  }
0x18: {  	s0 =	sld [smem:$0x3F98];
	_ =	swait.ge [sflag:s4], $0x0  }
0x19: {  	s7 =	sld [smem:$0x3F99]  }
0x1a: {  	s8 =	sadd.s32 $0xFFFFE003, lr  }
0x1b: {  	s9 =	sadd.s32 $0xFFFFFEF7, lr;
	s5 =	simm.s32 $0xFFFFFFFF;
	p2 =	slt.u32 s8, $0xFFFFF086  }
0x1c: {  	p1 =	slt.u32 s9, $0xF7A;
	s5 =	simm.s32 @!p2 $0x0  }
0x1d: {  	s5 =	simm.s32 @p1 $0x1;
	p0 =	seq.s32 s7, s2  }
0x1e: {  	s7 =	smul.u32 @!p0 $0xF7A, s2;
	p2 =	seq.s32 @!p0 s5, $0x0  }
0x1f: {  	s9 =	smul.u32 $0xF7A, s1;
	s8 =	simm.s32 @!p0 $0x1BF5;
	p2 =	por !p2, p0  }
0x20: {  	[sflag:s8] =	ssyncset.s32 @!p0 $0xFFFFF086;
	s6 =	sadd.s32 @!p0 s3, s7;
	s7 =	simm.s32 @!p0 $0x108  }
0x21: {  	s3 =	sadd.s32 s3, s9;
	s6 =	sadd.s32 @!p0 $0x88, s6;
	s7 =	simm.s32 @p2 $0x1082  }
0x22: {  	[simem:s7], [sflag:s8] =	dma.local @!p0 [hbm:s6], $0xF7A  }
0x23: {  	s9 =	sor.u32 $0xD0000000, s2;
	s6 =	simm.s32 $0x108;
	_ =	swait.ge @!p0 [sflag:s8], $0x0  }
0x24: {  	s3 =	sadd.s32 $0x88, s3;
	s6 =	simm.s32 @!p1 $0x1082;
	[sflag:s4] =	ssyncset.s32 $0xFFFFF086  }
0x25: {  	[simem:s6], [sflag:s4] =	dma.local [hbm:s3], $0xF7A  }
0x26: {  	[smem:$0x3F99] =	sst s1;
	(tag) =	ssettag s2;
	_ =	strace s9  }
0x27: {  	s1 =	sld [smem:$0x3FA9]  }
0x28: {  	s2 =	sld [smem:$0x3FAA]  }
0x29: {  	s4 =	sld [smem:$0x3FAC]  }
0x2a: {  	p0 =	seq.s32 s5, $0x0;
	s5 =	sld [smem:$0x3FAD]  }
0x2b: {  	s6 =	sld [smem:$0x3FAE]  }
0x2c: {  	s7 =	sld [smem:$0x3FAF]  }
0x2d: {  	s3 =	simm.s32 $0x108;
	s8 =	sld [smem:$0x3FB0]  }
0x2e: {  	s3 =	simm.s32 @!p0 $0x1082;
	s9 =	sld [smem:$0x3FB1]  }
0x2f: {  	lr =	sadd.s32 s0, s3;
	s0 =	sld [smem:$0x3FA8]  }
0x30: {  	s3 =	sld [smem:$0x3FAB]  }
0x31: {  	[smem:$0x3FB4] =	sst s10  }
0x32: {  	s10 =	sld [smem:$0x3FB2];
	_ =	sdelay $0x3  }
0x33: {  	p0 =	seq.s32 s10, $0x1;
	s10 =	sld [smem:$0x3FB4];
	_ =	sdelay $0x3  }
0x34: {  	[smem:$0x3FB4] =	sst s10  }
0x35: {  	s10 =	sld [smem:$0x3FB3];
	_ =	sdelay $0x3  }
0x36: {  	p1 =	seq.s32 s10, $0x1;
	s10 =	sld [smem:$0x3FB4];
	_ =	sdelay $0x3  }
0x37: {  	[smem:$0x3FB4] =	sst s10  }
0x38: {  	s10 =	sld [smem:$0x3FB5]  }
0x39: {  	_ = 	snop;
	(pc) =	sbr.ind lr, $3  }
0x3a: {  	_ = 	snop  }
0x3b: {  	_ = 	snop  }
0x3c: {  	p2 =	seq.s32 s10, $0x1;
	s10 =	sld [smem:$0x3FB4]  }
0x3d: {  	_ =	shalt  }
0x3e: {  	_ =	shalt  }
0x3f: {  	_ =	shalt  }
0x40: {  	_ =	shalt  }
0x41: {  	_ =	shalt  }
0x42: {  	_ =	shalt  }
0x43: {  	_ =	shalt  }
0x44: {  	_ =	shalt  }
0x45: {  	_ =	shalt  }
0x46: {  	_ =	shalt  }
0x47: {  	_ =	shalt  }
0x48: {  	_ =	shalt  }
0x49: {  	_ =	shalt  }
0x4a: {  	_ =	shalt  }
0x4b: {  	_ =	shalt  }
0x4c: {  	_ =	shalt  }
0x4d: {  	_ =	shalt  }
0x4e: {  	_ =	shalt  }
0x4f: {  	_ =	shalt  }
0x50: {  	_ =	shalt  }
0x51: {  	_ =	shalt  }
0x52: {  	_ =	shalt  }
0x53: {  	_ =	shalt  }
0x54: {  	_ =	shalt  }
0x55: {  	_ =	shalt  }
0x56: {  	_ =	shalt  }
0x57: {  	_ =	shalt  }
0x58: {  	_ =	shalt  }
0x59: {  	_ =	shalt  }
0x5a: {  	_ =	shalt  }
0x5b: {  	_ =	shalt  }
0x5c: {  	_ =	shalt  }
0x5d: {  	_ =	shalt  }
0x5e: {  	_ =	shalt  }
0x5f: {  	_ =	shalt  }
0x60: {  	_ =	shalt  }
0x61: {  	_ =	shalt  }
0x62: {  	_ =	shalt  }
0x63: {  	_ =	shalt  }
0x64: {  	_ =	shalt  }
0x65: {  	_ =	shalt  }
0x66: {  	_ =	shalt  }
0x67: {  	_ =	shalt  }
0x68: {  	_ =	shalt  }
0x69: {  	_ =	shalt  }
0x6a: {  	_ =	shalt  }
0x6b: {  	_ =	shalt  }
0x6c: {  	_ =	shalt  }
0x6d: {  	_ =	shalt  }
0x6e: {  	_ =	shalt  }
0x6f: {  	_ =	shalt  }
0x70: {  	_ =	shalt  }
0x71: {  	_ =	shalt  }
0x72: {  	_ =	shalt  }
0x73: {  	_ =	shalt  }
0x74: {  	_ =	shalt  }
0x75: {  	_ =	shalt  }
0x76: {  	_ =	shalt  }
0x77: {  	_ =	shalt  }
0x78: {  	_ =	shalt  }
0x79: {  	_ =	shalt  }
0x7a: {  	_ =	shalt  }
0x7b: {  	_ =	shalt  }
0x7c: {  	_ =	shalt  }
0x7d: {  	_ =	shalt  }
0x7e: {  	_ =	shalt  }
0x7f: {  	_ =	shalt  }
0x80: {  	_ =	shalt  }
0x81: {  	_ =	shalt  }
0x82: {  	_ =	shalt  }
0x83: {  	_ =	shalt  }
0x84: {  	_ =	shalt  }
0x85: {  	_ =	shalt  }
0x86: {  	_ =	shalt  }
0x87: {  	_ =	shalt  }
.Lfunc_end0:
.L_simem_size_0:
called_computation.2_lowered:
.L_overlay_start_0:
0x88: {  	s2 =	sld [smem:$0x3FD9]  }
0x89: {  	s3 =	sld [smem:$0x3FFE];
	_ =	sdelay $0x1  }
0x8a: {  	s1 =	srdreg.scid  }
0x8b: {  	s0 =	sand.u32 $0x1, s1  }
0x8c: {  	s17 =	sshll.u32 s0, $0xA;
	s2 =	sadd.s32 s3, s2  }
0x8d: {  	s2 =	sadd.s32 s2, s17  }
0x8e: {  	[smem:$0x3FC0] =	sst s2  }
0x8f: {  	_ = 	snop  }
0x90: {  	s2 =	sld [smem:$0x3FD0];
	(tm) =	ssettm $0x1  }
0x91: {  	s18 =	sld [smem:$0x3FFB];
	_ =	sdelay $0x3  }
0x92: {  	_ =	strace s18  }
0x93: {  	s3 =	sld [smem:$0x3FFC];
	_ =	sdelay $0x3  }
0x94: {  	_ =	strace s3  }
0x95: {  	s3 =	sld [smem:$0x3FFD];
	_ =	sdelay $0x3  }
0x96: {  	_ =	strace s3  }
0x97: {  	_ =	strace $0x8FFFFFFF  }
0x98: {  	s19 =	sld [smem:$0x3FDB];
	_ =	sdelay $0x1  }
0x99: {  	s4 =	simm.s32 $_scs_section_size  }
0x9a: {  	s5 =	simm.s32 $_size__tile_overlayer_lowered;
	s6 =	simm.s32 $_tile_overlayer_lowered  }
0x9b: {  	s22 =	simm.s32 $0x1BFF;
	s21 =	sshll.u32 s6, $0x1;
	s3 =	sadd.s32 s4, s19  }
0x9c: {  	s7 =	simm.s32 $0x0;
	s20 =	sshll.u32 s5, $0x1;
	s5 =	sadd.s32 s21, s3  }
0x9d: {  	[timem:s7], [sflag:s22] =	dma.local [hbm:s5], s20  }
0x9e: {  	_ =	swait.ge [sflag:s22], s20  }
0x9f: {  	s4 =	ssub.s32 $0x0, s20;
	[sflag:s22] =	ssyncset.done $0x0  }
0xa0: {  	[sflag:s22] =	ssyncadd.s32 s4;
	_ =	sdelay $0x1  }
0xa1: {  	s23 =	simm.s32 $0x1B8B  }
0xa2: {  	_ =	swait.ge [sflag:s23], $0x1  }
0xa3: {  	[sflag:s23] =	ssyncset.done $0x0  }
0xa4: {  	s25 =	simm.s32 $0x1B8E;
	s24 =	sld [smem:$0x3FFE];
	[sflag:s23] =	ssyncadd.s32 $0xFFFFFFFF  }
0xa5: {  	s26 =	simm.s32 $execute0_lowered;
	[smem:$0x3FD2] =	sst s25  }
0xa6: {  	s5 =	sshll.u32 s26, $0x1;
	_ =	strace $0x8000004C;
	[dreg:$0x1] =	wrdreg $0xFFFFFFFF  }
0xa7: {  	s28 =	simm.s32 $_size_execute0_lowered;
	s3 =	sadd.s32 s3, s5;
	[dreg:$0x0] =	wrdreg $0x0  }
0xa8: {  	s5 =	sshll.u32 s28, $0x1;
	[dreg:$0x2] =	wrdreg s3  }
0xa9: {  	[dreg:$0x3] =	wrdreg s5  }
0xaa: {  	[dreg:$0x4] =	wrdreg $0xC0  }
0xab: {  	_ =	task [dreg:s7], $0x5FFFF  }
0xac: {  	[dreg:$0x1] =	wrdreg $0xFFFFFFFF  }
0xad: {  	[dreg:$0x0] =	wrdreg $0x60  }
0xae: {  	[dreg:$0x2] =	wrdreg s24  }
0xaf: {  	[dreg:$0x3] =	wrdreg s2  }
0xb0: {  	[dreg:$0x4] =	wrdreg $0xB7800  }
0xb1: {  	[dreg:$0x5] =	wrdreg $0x9  }
0xb2: {  	_ =	task.clear_ibuf [dreg:s7], $0x6FFFF;
	_ =	strace $0x9000004C  }
0xb3: {  	s29 =	simm.s32 $0x9;
	_ =	strace $0x8000004E  }
0xb4: {  	_ =	swait.ge [sflag:s29], $0x1  }
0xb5: {  	[sflag:s29] =	ssyncadd.s32 $0xFFFFFFFF  }
0xb6: {  	_ =	strace $0x9000004E  }
0xb7: {  	_ =	sfence  }
0xb8: {  	s30 =	sld [smem:$0x0];
	_ =	sdelay $0x2  }
0xb9: {  	s31 =	sshll.u32 s1, $0xD;
	s1 =	sshrl.u32 s1, $0x2  }
0xba: {  	s3 =	sand.u32 $0x4000, s31;
	s1 =	sadd.s32 s1, s30  }
0xbb: {  	s0 =	sor.u32 s3, s0;
	s1 =	sshll.u32 s1, $0x11  }
0xbc: {  	s0 =	sor.u32 s1, s0  }
0xbd: {  	s0 =	sadd.s32 $0x8F2B, s0  }
0xbe: {  	[sflag:s0] =	ssyncadd.remote.s32 $0x1  }
0xbf: {  	_ =	sfence.sel $0xFFFF  }
0xc0: {  	[dreg:$0x0] =	wrdreg $0xFFFFFFFF;
	(pc) =	sbr.abs _section_cstart, $3  }
0xc1: {  	[dreg:$0x1] =	wrdreg $0xFFFFFFFF  }
0xc2: {  	_ =	task.clear_ibuf [dreg:s7], $0x2FFFF;
	_ =	strace $0x9FFFFFFF  }
0xc3: {  	(tm) =	ssettm $0x7FFFFFFF  }
tec
execute0_lowered:
.L_overlay_start_1:
0x0: {  	(tag) =	ssettag $0x1  }
0x1: {  	s6 =	rddreg [dreg:$0x0]  }
0x2: {  	s0 =	srdreg.scid;
	s7 =	rddreg [dreg:$0x1]  }
0x3: {  	s2 =	rddreg [dreg:$0x2];
	s3 =	simm.s32 $0x0;
	s14 =	simm.s32 $0x50  }
0x4: {  	s15 =	simm.s32 $0x6780;
	s16 =	simm.s32 $0x1;
	s17 =	simm.s32 $0x8F80  }
0x5: {  	s18 =	simm.s32 $0x2;
	s19 =	simm.s32 $0x3;
	s20 =	simm.s32 $0x4  }
0x6: {  	s21 =	simm.s32 $0x6500;
	s22 =	simm.s32 $0x26C0;
	s23 =	simm.s32 $0x6580  }
0x7: {  	s24 =	simm.s32 $0x0;
	s5 =	sand.u32 $0x1, s0;
	s0 =	stileid.u32  }
0x8: {  	[smem:$0x7FF] =	sst s3;
	s4 =	sadd.s32 $0xBA00, s6;
	s10 =	smul.u32 $0x13C000, s5  }
0x9: {  	s1 =	sshll.u32 s5, $0x4;
	s11 =	smul.u32 $0x13C00, s0;
	s29 =	ssub.s32 $0x2, s5  }
0xa: {  	s12 =	smul.u32 $0x4F000, s0;
	s5 =	sadd.s32 $0x33200, s6;
	s31 =	sshll.u32 s0, $0x6  }
0xb: {  	s8 =	sor.u32 s0, s1;
	s1 =	rddreg [dreg:$0x3];
	_ =	strace $0x8000004D  }
0xc: {  	s30 =	sshrl.u32 s29, $0x1;
	s9 =	smul.u32 $0x4E2, s8;
	s10 =	sadd.s32 s11, s10  }
0xd: {  	s11 =	ssub.s32 s29, s30;
	s8 =	sshll.u32 s8, $0xB;
	s12 =	sshrl.u32 s12, $0x2  }
0xe: {  	s10 =	sshrl.u32 s10, $0x3;
	s7 =	sadd.s32 s7, s8;
	s13 =	sadd.s32 s12, s2  }
0xf: {  	s12 =	sor.u32 $0x1C05, s31;
	s9 =	sadd.s32 s9, s6;
	s10 =	sadd.s32 s10, s6  }
0x10: {  	s13 =	sshrl.u32 s13, $0x3;
	s6 =	sadd.s32 $0x1C00, s9;
	s8 =	sadd.s32 $0x35A00, s10  }
0x11: {  	s9 =	smax.u32 s11, $0x1;
	s10 =	simm.s32 $0x5;
	s11 =	simm.s32 $0x2780  }
.LBB2_1:
0x12: {  	[tilespmem:s3], [sflag:$0x5] =	stream.linear.gather [hbm4b:s6+s3], $0x2710, $0x38;
	[tilespmem:$0x1F380] =	vst v63  }
0x13: {  	_ =	swait.ge [sflag:s10], $0x2710  }
0x14: {  	[sflag:s10] =	ssyncset.done $0x0  }
0x15: {  	[sflag:s10] =	ssyncadd.s32 $0xFFFFD8F0  }
0x16: {  	[tilespmem:s11], [sflag:$0x5] =	stream.linear.gather [hbm4b:s7+s3], $0x3E80, $0x38;
	[tilespmem:$0x1F380] =	vst v63  }
0x17: {  	_ =	swait.ge [sflag:s10], $0x3E80  }
0x18: {  	[sflag:s10] =	ssyncset.done $0x0  }
0x19: {  	[sflag:s10] =	ssyncadd.s32 $0xFFFFC180  }
0x1a: {  	[spmem:s13], [sflag:s12] =	dma.local [hbm:s5], $0x2780  }
0x1b: {  	_ =	swait.ge [sflag:s10], $0x2780  }
0x1c: {  	[sflag:s10] =	ssyncset.done $0x0  }
0x1d: {  	[sflag:s10] =	ssyncadd.s32 $0xFFFFD880  }
0x1e: {  	[bflag:$0x0] =	sbarrier.arrive $0xFFFF  }
0x1f: {  	[tilespmem:s15], [sflag:$0x1] =	stream.indirect.gather [hbm4b:s4+s14], $0x80, s3, s14, $0xb8;
	[tilespmem:$0x1F380] =	vst v63  }
0x20: {  	_ =	swait.ge [sflag:s16], $0x2800  }
0x21: {  	[sflag:s16] =	ssyncset.done $0x0  }
0x22: {  	[sflag:s16] =	ssyncadd.s32 $0xFFFFD800  }
0x23: {  	[spmem:s2] =	stream.indirect.scatter.add.f32 [tilespmem:s15], [sflag:$0x3], $0x80, s11, s14, $0xb8;
	[tilespmem:$0x1F380] =	vst v63  }
0x24: {  	_ = 	snop  }
0x25: {  	[tilespmem:s17], [sflag:$0x2] =	stream.indirect.gather [hbm4b:s4+s14], $0x80, s14, s14, $0xb8;
	[tilespmem:$0x1F380] =	vst v63  }
0x26: {  	_ =	swait.ge [sflag:s18], $0x2800  }
0x27: {  	[sflag:s18] =	ssyncset.done $0x0  }
0x28: {  	[sflag:s18] =	ssyncadd.s32 $0xFFFFD800  }
0x29: {  	_ =	swait.ge [sflag:s19], $0x2800  }
0x2a: {  	[sflag:s19] =	ssyncset.done $0x0  }
0x2b: {  	s25 =	simm.s32 $0x2800;
	[sflag:s19] =	ssyncadd.s32 $0xFFFFD800  }
0x2c: {  	[spmem:s2] =	stream.indirect.scatter.add.f32 [tilespmem:s17], [sflag:$0x4], $0x80, s25, s14, $0xb8;
	[tilespmem:$0x1F380] =	vst v63  }
0x2d: {  	s30 =	simm.s32 $0xA0  }
0x2e: {  	[tilespmem:s15], [sflag:$0x1] =	stream.indirect.gather [hbm4b:s4+s14], $0x80, s30, s14, $0xb8;
	[tilespmem:$0x1F380] =	vst v63  }
0x2f: {  	_ =	swait.ge [sflag:s16], $0x2800  }
0x30: {  	[sflag:s16] =	ssyncset.done $0x0  }
0x31: {  	[sflag:s16] =	ssyncadd.s32 $0xFFFFD800  }
0x32: {  	_ =	swait.ge [sflag:s20], $0x2800  }
0x33: {  	s31 =	simm.s32 $0x2880;
	s28 =	simm.s32 $0xF0;
	[sflag:s20] =	ssyncset.done $0x0  }
0x34: {  	s26 =	simm.s32 $0x2900;
	s25 =	simm.s32 $0xFFFF6A00;
	[sflag:s20] =	ssyncadd.s32 $0xFFFFD800  }
0x35: {  	[spmem:s2] =	stream.indirect.scatter.add.f32 [tilespmem:s15], [sflag:$0x3], $0x80, s31, s14, $0xb8;
	[tilespmem:$0x1F380] =	vst v63  }
.LBB2_2:
0x36: {  	[tilespmem:s17], [sflag:$0x2] =	stream.indirect.gather [hbm4b:s4+s14], $0x80, s28, s14, $0xb8;
	[tilespmem:$0x1F380] =	vst v63  }
0x37: {  	s28 =	smov.u32 s25  }
0x38: {  	p0 =	sne.s32 s25, $0xFFFFFD80;
	s25 =	sadd.s32 $0x280, s25;
	_ =	swait.ge [sflag:s18], $0x2800  }
0x39: {  	[sflag:s18] =	ssyncset.done $0x0  }
0x3a: {  	[sflag:s18] =	ssyncadd.s32 $0xFFFFD800  }
0x3b: {  	_ =	swait.ge [sflag:s19], $0x2800  }
0x3c: {  	[sflag:s19] =	ssyncset.done $0x0  }
0x3d: {  	s28 =	sshra.s32 s28, $0x2;
	[sflag:s19] =	ssyncadd.s32 $0xFFFFD800  }
0x3e: {  	[spmem:s2] =	stream.indirect.scatter.add.f32 [tilespmem:s17], [sflag:$0x4], $0x80, s26, s14, $0xb8;
	[tilespmem:$0x1F380] =	vst v63  }
0x3f: {  	s29 =	sadd.s32 $0x26C0, s28  }
0x40: {  	[tilespmem:s15], [sflag:$0x1] =	stream.indirect.gather [hbm4b:s4+s14], $0x80, s29, s14, $0xb8;
	[tilespmem:$0x1F380] =	vst v63  }
0x41: {  	_ =	swait.ge [sflag:s16], $0x2800  }
0x42: {  	[sflag:s16] =	ssyncset.done $0x0  }
0x43: {  	[sflag:s16] =	ssyncadd.s32 $0xFFFFD800  }
.Ltmp0:
0x44: {  	_ =	swait.ge [sflag:s20], $0x2800;
	(pc) =	sbr.rel @p0 .LBB2_2-.Ltmp0, $4  }
0x45: {  	[sflag:s20] =	ssyncset.done $0x0  }
0x46: {  	s29 =	sadd.s32 $0x80, s26;
	[sflag:s20] =	ssyncadd.s32 $0xFFFFD800  }
0x47: {  	[spmem:s2] =	stream.indirect.scatter.add.f32 [tilespmem:s15], [sflag:$0x3], $0x80, s29, s14, $0xb8;
	[tilespmem:$0x1F380] =	vst v63  }
0x48: {  	s28 =	sadd.s32 $0x2710, s28;
	s26 =	sadd.s32 $0x100, s26  }
0x49: {  	[tilespmem:s17], [sflag:$0x2] =	stream.indirect.gather [hbm4b:s4+s14], $0x80, s28, s14, $0xb8;
	[tilespmem:$0x1F380] =	vst v63  }
0x4a: {  	_ =	swait.ge [sflag:s18], $0x2800  }
0x4b: {  	[sflag:s18] =	ssyncset.done $0x0  }
0x4c: {  	[sflag:s18] =	ssyncadd.s32 $0xFFFFD800  }
0x4d: {  	_ =	swait.ge [sflag:s19], $0x2800  }
0x4e: {  	[sflag:s19] =	ssyncset.done $0x0  }
0x4f: {  	[sflag:s19] =	ssyncadd.s32 $0xFFFFD800  }
0x50: {  	[spmem:s2] =	stream.indirect.scatter.add.f32 [tilespmem:s17], [sflag:$0x4], $0x80, s21, s14, $0xb8;
	[tilespmem:$0x1F380] =	vst v63  }
0x51: {  	_ = 	snop  }
0x52: {  	[tilespmem:s15], [sflag:$0x1] =	stream.indirect.gather [hbm4b:s4+s14], $0x80, s22, s14, $0xb8;
	[tilespmem:$0x1F380] =	vst v63  }
0x53: {  	_ =	swait.ge [sflag:s16], $0x2800  }
0x54: {  	[sflag:s16] =	ssyncset.done $0x0  }
0x55: {  	[sflag:s16] =	ssyncadd.s32 $0xFFFFD800  }
0x56: {  	_ =	swait.ge [sflag:s20], $0x2800  }
0x57: {  	[sflag:s20] =	ssyncset.done $0x0  }
0x58: {  	[sflag:s20] =	ssyncadd.s32 $0xFFFFD800  }
0x59: {  	[spmem:s2] =	stream.indirect.scatter.add.f32 [tilespmem:s15], [sflag:$0x3], $0x80, s23, s14, $0xb8;
	[tilespmem:$0x1F380] =	vst v63  }
0x5a: {  	_ =	swait.ge [sflag:s19], $0x2800  }
0x5b: {  	s24 =	sadd.s32 $0x1, s24;
	[sflag:s19] =	ssyncset.done $0x0  }
0x5c: {  	p0 =	sne.s32 s24, s9;
	[sflag:s19] =	ssyncadd.s32 $0xFFFFD800  }
.Ltmp1:
0x5d: {  	[bflag:$0x0] =	sbarrier.arrive $0xFFFF;
	(pc) =	sbr.rel @p0 .LBB2_1-.Ltmp1, $4  }
0x5e: {  	[hbm:s8], [sflag:s12] =	dma.local [spmem:s13], $0x2780  }
0x5f: {  	_ =	swait.ge [sflag:s10], $0x2780  }
0x60: {  	[sflag:s10] =	ssyncset.done $0x0  }
0x61: {  	[sflag:s10] =	ssyncadd.s32 $0xFFFFD880  }
0x62: {  	_ =	sfence.sel $0x180000  }
0x63: {  	[bflag:$0x0] =	sbarrier.arrive $0xFFFF  }
0x64: {  	p0 =	sne.s32 s0, $0x0;
	_ =	strace $0x9000004D  }
0x65: {  	s0 =	sadd.s32 @!p0 $0x100000, s1;
	[bflag:$0x2] =	sbarrier.arrive $0xFFFF  }
0x66: {  	[sflag:s0] =	ssyncadd.tile.s32 @!p0 $0x1;
	_ =	shalt  }
.Lfunc_end2:
_tile_overlayer_lowered:
.L_overlay_start_2:
0x67: {  	(tag) =	ssettag $0x2  }
0x68: {  	s0 =	rddreg [dreg:$0x0];
	s2 =	stileid.u32  }
0x69: {  	s1 =	rddreg [dreg:$0x1];
	p0 =	sne.s32 s2, $0x0  }
0x6a: {  	s3 =	rddreg [dreg:$0x2];
	[bflag:$0x3] =	sbarrier.arrive $0xFFFF;
	s2 =	simm.s32 @!p0 $0x1C05  }
0x6b: {  	[timem:s3], [sflag:s2] =	dma.local @!p0 [hbm:s0], s1  }
0x6c: {  	s0 =	simm.s32 @!p0 $0x5  }
0x6d: {  	_ =	swait.ge @!p0 [sflag:s0], s1  }
0x6e: {  	s1 =	ssub.s32 @!p0 $0x0, s1;
	[sflag:s0] =	ssyncset.done @!p0 $0x0  }
0x6f: {  	[sflag:s0] =	ssyncadd.s32 @!p0 s1  }
0x70: {  	[bflag:$0x3] =	sbarrier.arrive $0xFFFF  }
0x71: {  	_ =	shalt  }

// kernel: kernel.8.cloned.1.call-start
scs
__scs_entry_jumppad:
0x0: {  	(pc) =	sbr.rel $0x88, $3  }
0x1: {  	(tag) =	ssettag $0x0;
	lr =	simm.s32 $0x1  }
0x2: {  	[smem:$0x3F99] =	sst lr;
	_ =	strace $0xD0000000  }
0x3: {  	_ = 	snop  }
0x4: {  	_ = 	snop  }
0x5: {  	_ = 	snop  }
0x6: {  	_ = 	snop  }
0x7: {  	_ = 	snop  }
__scs_overlays_trampoline_lowered:
0x8: {  	[smem:$0x3FA8] =	sst s0  }
0x9: {  	[smem:$0x3FA9] =	sst s1  }
0xa: {  	[smem:$0x3FAA] =	sst s2  }
0xb: {  	[smem:$0x3FAB] =	sst s3  }
0xc: {  	[smem:$0x3FAC] =	sst s4  }
0xd: {  	[smem:$0x3FAD] =	sst s5  }
0xe: {  	[smem:$0x3FAE] =	sst s6  }
0xf: {  	[smem:$0x3FAF] =	sst s7  }
0x10: {  	[smem:$0x3FB0] =	sst s8  }
0x11: {  	[smem:$0x3FB1] =	sst s9;
	s0 =	simm.s32 @!p0 $0x0  }
0x12: {  	s1 =	sld [smem:$0x3F97];
	s0 =	simm.s32 @p0 $0x1  }
0x13: {  	[smem:$0x3FB2] =	sst s0;
	s0 =	simm.s32 @!p1 $0x0  }
0x14: {  	s2 =	sld [smem:$0x3F96];
	s0 =	simm.s32 @p1 $0x1  }
0x15: {  	[smem:$0x3FB3] =	sst s0;
	s0 =	simm.s32 @!p2 $0x0  }
0x16: {  	s3 =	sld [smem:$0x3FDB];
	s0 =	simm.s32 @p2 $0x1  }
0x17: {  	s4 =	simm.s32 $0x1BF5;
	[smem:$0x3FB5] =	sst s0  }
0x18: {  	s0 =	sld [smem:$0x3F98];
	_ =	swait.ge [sflag:s4], $0x0  }
0x19: {  	s7 =	sld [smem:$0x3F99]  }
0x1a: {  	s8 =	sadd.s32 $0xFFFFE003, lr  }
0x1b: {  	s9 =	sadd.s32 $0xFFFFFEF7, lr;
	s5 =	simm.s32 $0xFFFFFFFF;
	p2 =	slt.u32 s8, $0xFFFFF086  }
0x1c: {  	p1 =	slt.u32 s9, $0xF7A;
	s5 =	simm.s32 @!p2 $0x0  }
0x1d: {  	s5 =	simm.s32 @p1 $0x1;
	p0 =	seq.s32 s7, s2  }
0x1e: {  	s7 =	smul.u32 @!p0 $0xF7A, s2;
	p2 =	seq.s32 @!p0 s5, $0x0  }
0x1f: {  	s9 =	smul.u32 $0xF7A, s1;
	s8 =	simm.s32 @!p0 $0x1BF5;
	p2 =	por !p2, p0  }
0x20: {  	[sflag:s8] =	ssyncset.s32 @!p0 $0xFFFFF086;
	s6 =	sadd.s32 @!p0 s3, s7;
	s7 =	simm.s32 @!p0 $0x108  }
0x21: {  	s3 =	sadd.s32 s3, s9;
	s6 =	sadd.s32 @!p0 $0x88, s6;
	s7 =	simm.s32 @p2 $0x1082  }
0x22: {  	[simem:s7], [sflag:s8] =	dma.local @!p0 [hbm:s6], $0xF7A  }
0x23: {  	s9 =	sor.u32 $0xD0000000, s2;
	s6 =	simm.s32 $0x108;
	_ =	swait.ge @!p0 [sflag:s8], $0x0  }
0x24: {  	s3 =	sadd.s32 $0x88, s3;
	s6 =	simm.s32 @!p1 $0x1082;
	[sflag:s4] =	ssyncset.s32 $0xFFFFF086  }
0x25: {  	[simem:s6], [sflag:s4] =	dma.local [hbm:s3], $0xF7A  }
0x26: {  	[smem:$0x3F99] =	sst s1;
	(tag) =	ssettag s2;
	_ =	strace s9  }
0x27: {  	s1 =	sld [smem:$0x3FA9]  }
0x28: {  	s2 =	sld [smem:$0x3FAA]  }
0x29: {  	s4 =	sld [smem:$0x3FAC]  }
0x2a: {  	p0 =	seq.s32 s5, $0x0;
	s5 =	sld [smem:$0x3FAD]  }
0x2b: {  	s6 =	sld [smem:$0x3FAE]  }
0x2c: {  	s7 =	sld [smem:$0x3FAF]  }
0x2d: {  	s3 =	simm.s32 $0x108;
	s8 =	sld [smem:$0x3FB0]  }
0x2e: {  	s3 =	simm.s32 @!p0 $0x1082;
	s9 =	sld [smem:$0x3FB1]  }
0x2f: {  	lr =	sadd.s32 s0, s3;
	s0 =	sld [smem:$0x3FA8]  }
0x30: {  	s3 =	sld [smem:$0x3FAB]  }
0x31: {  	[smem:$0x3FB4] =	sst s10  }
0x32: {  	s10 =	sld [smem:$0x3FB2];
	_ =	sdelay $0x3  }
0x33: {  	p0 =	seq.s32 s10, $0x1;
	s10 =	sld [smem:$0x3FB4];
	_ =	sdelay $0x3  }
0x34: {  	[smem:$0x3FB4] =	sst s10  }
0x35: {  	s10 =	sld [smem:$0x3FB3];
	_ =	sdelay $0x3  }
0x36: {  	p1 =	seq.s32 s10, $0x1;
	s10 =	sld [smem:$0x3FB4];
	_ =	sdelay $0x3  }
0x37: {  	[smem:$0x3FB4] =	sst s10  }
0x38: {  	s10 =	sld [smem:$0x3FB5]  }
0x39: {  	_ = 	snop;
	(pc) =	sbr.ind lr, $3  }
0x3a: {  	_ = 	snop  }
0x3b: {  	_ = 	snop  }
0x3c: {  	p2 =	seq.s32 s10, $0x1;
	s10 =	sld [smem:$0x3FB4]  }
0x3d: {  	_ =	shalt  }
0x3e: {  	_ =	shalt  }
0x3f: {  	_ =	shalt  }
0x40: {  	_ =	shalt  }
0x41: {  	_ =	shalt  }
0x42: {  	_ =	shalt  }
0x43: {  	_ =	shalt  }
0x44: {  	_ =	shalt  }
0x45: {  	_ =	shalt  }
0x46: {  	_ =	shalt  }
0x47: {  	_ =	shalt  }
0x48: {  	_ =	shalt  }
0x49: {  	_ =	shalt  }
0x4a: {  	_ =	shalt  }
0x4b: {  	_ =	shalt  }
0x4c: {  	_ =	shalt  }
0x4d: {  	_ =	shalt  }
0x4e: {  	_ =	shalt  }
0x4f: {  	_ =	shalt  }
0x50: {  	_ =	shalt  }
0x51: {  	_ =	shalt  }
0x52: {  	_ =	shalt  }
0x53: {  	_ =	shalt  }
0x54: {  	_ =	shalt  }
0x55: {  	_ =	shalt  }
0x56: {  	_ =	shalt  }
0x57: {  	_ =	shalt  }
0x58: {  	_ =	shalt  }
0x59: {  	_ =	shalt  }
0x5a: {  	_ =	shalt  }
0x5b: {  	_ =	shalt  }
0x5c: {  	_ =	shalt  }
0x5d: {  	_ =	shalt  }
0x5e: {  	_ =	shalt  }
0x5f: {  	_ =	shalt  }
0x60: {  	_ =	shalt  }
0x61: {  	_ =	shalt  }
0x62: {  	_ =	shalt  }
0x63: {  	_ =	shalt  }
0x64: {  	_ =	shalt  }
0x65: {  	_ =	shalt  }
0x66: {  	_ =	shalt  }
0x67: {  	_ =	shalt  }
0x68: {  	_ =	shalt  }
0x69: {  	_ =	shalt  }
0x6a: {  	_ =	shalt  }
0x6b: {  	_ =	shalt  }
0x6c: {  	_ =	shalt  }
0x6d: {  	_ =	shalt  }
0x6e: {  	_ =	shalt  }
0x6f: {  	_ =	shalt  }
0x70: {  	_ =	shalt  }
0x71: {  	_ =	shalt  }
0x72: {  	_ =	shalt  }
0x73: {  	_ =	shalt  }
0x74: {  	_ =	shalt  }
0x75: {  	_ =	shalt  }
0x76: {  	_ =	shalt  }
0x77: {  	_ =	shalt  }
0x78: {  	_ =	shalt  }
0x79: {  	_ =	shalt  }
0x7a: {  	_ =	shalt  }
0x7b: {  	_ =	shalt  }
0x7c: {  	_ =	shalt  }
0x7d: {  	_ =	shalt  }
0x7e: {  	_ =	shalt  }
0x7f: {  	_ =	shalt  }
0x80: {  	_ =	shalt  }
0x81: {  	_ =	shalt  }
0x82: {  	_ =	shalt  }
0x83: {  	_ =	shalt  }
0x84: {  	_ =	shalt  }
0x85: {  	_ =	shalt  }
0x86: {  	_ =	shalt  }
0x87: {  	_ =	shalt  }
.Lfunc_end0:
.L_simem_size_0:
called_computation_lowered:
.L_overlay_start_0:
0x88: {  	s2 =	sld [smem:$0x3FD9]  }
0x89: {  	s3 =	sld [smem:$0x3FFE];
	_ =	sdelay $0x1  }
0x8a: {  	s1 =	srdreg.scid  }
0x8b: {  	s0 =	sand.u32 $0x1, s1  }
0x8c: {  	s17 =	sshll.u32 s0, $0xA;
	s2 =	sadd.s32 s3, s2  }
0x8d: {  	s2 =	sadd.s32 s2, s17  }
0x8e: {  	[smem:$0x3FC0] =	sst s2  }
0x8f: {  	_ = 	snop  }
0x90: {  	s18 =	sld [smem:$0x3FD0];
	(tm) =	ssettm $0x1  }
0x91: {  	s19 =	sld [smem:$0x3FFB];
	_ =	sdelay $0x3  }
0x92: {  	_ =	strace s19  }
0x93: {  	s2 =	sld [smem:$0x3FFC];
	_ =	sdelay $0x3  }
0x94: {  	_ =	strace s2  }
0x95: {  	s2 =	sld [smem:$0x3FFD];
	_ =	sdelay $0x3  }
0x96: {  	_ =	strace s2  }
0x97: {  	_ =	strace $0x8FFFFFFF  }
0x98: {  	s20 =	sld [smem:$0x3FDB];
	_ =	sdelay $0x1  }
0x99: {  	s4 =	simm.s32 $_scs_section_size  }
0x9a: {  	s5 =	simm.s32 $_size__tile_overlayer_lowered;
	s6 =	simm.s32 $_tile_overlayer_lowered  }
0x9b: {  	s7 =	simm.s32 $0x1BFF;
	s21 =	sshll.u32 s6, $0x1;
	s4 =	sadd.s32 s4, s20  }
0x9c: {  	s22 =	simm.s32 $0x0;
	s5 =	sshll.u32 s5, $0x1;
	s6 =	sadd.s32 s21, s4  }
0x9d: {  	[timem:s22], [sflag:s7] =	dma.local [hbm:s6], s5  }
0x9e: {  	_ =	swait.ge [sflag:s7], s5  }
0x9f: {  	s5 =	ssub.s32 $0x0, s5;
	[sflag:s7] =	ssyncset.done $0x0  }
0xa0: {  	[sflag:s7] =	ssyncadd.s32 s5;
	_ =	sdelay $0x1  }
0xa1: {  	s23 =	simm.s32 $0x1B8B  }
0xa2: {  	_ =	swait.ge [sflag:s23], $0x1  }
0xa3: {  	[sflag:s23] =	ssyncset.done $0x0  }
0xa4: {  	[sflag:s23] =	ssyncadd.s32 $0xFFFFFFFF  }
0xa5: {  	s5 =	sld [smem:$0x0]  }
0xa6: {  	s6 =	sand.u32 $0xFFFFFFFE, s1  }
0xa7: {  	p0 =	sne.s32 s1, s6  }
0xa8: {  	s6 =	sshll.u32 @p0 s6, $0xE  }
0xa9: {  	s6 =	sadd.s32 @p0 $0x11B8D, s6;
	s7 =	sshll.u32 @p0 s5, $0x11  }
0xaa: {  	s6 =	sor.u32 @p0 s7, s6  }
0xab: {  	[sflag:s6] =	ssyncadd.remote.s32 @p0 $0x1;
	_ =	sdelay $0x1  }
0xac: {  	s6 =	simm.s32 @p0 $0x1B8D  }
0xad: {  	_ =	swait.eq @p0 [sflag:s6], $0x1  }
0xae: {  	[sflag:s6] =	ssyncadd.s32 @p0 $0xFFFFFFFF  }
0xaf: {  	s7 =	sshll.u32 @!p0 s1, $0xE  }
0xb0: {  	s7 =	sor.u32 @!p0 $0x4000, s7;
	s6 =	simm.s32 @!p0 $0x1B8D  }
0xb1: {  	s5 =	sshll.u32 @!p0 s5, $0x11;
	s7 =	sadd.s32 @!p0 $0x11B8D, s7;
	_ =	swait.eq @!p0 [sflag:s6], $0x1  }
0xb2: {  	s5 =	sor.u32 @!p0 s5, s7;
	[sflag:s6] =	ssyncadd.s32 @!p0 $0xFFFFFFFF  }
0xb3: {  	s25 =	simm.s32 $0x1B8E;
	s24 =	sld [smem:$0x3FFE];
	[sflag:s5] =	ssyncadd.remote.s32 @!p0 $0x1  }
0xb4: {  	s26 =	simm.s32 $execute0_lowered;
	[smem:$0x3FD2] =	sst s25  }
0xb5: {  	s6 =	sshll.u32 s26, $0x1;
	_ =	strace $0x80000049;
	[dreg:$0x1] =	wrdreg $0xFFFFFFFF  }
0xb6: {  	s28 =	simm.s32 $_size_execute0_lowered;
	s4 =	sadd.s32 s4, s6;
	[dreg:$0x0] =	wrdreg $0x0  }
0xb7: {  	s6 =	sshll.u32 s28, $0x1;
	[dreg:$0x2] =	wrdreg s4  }
0xb8: {  	[dreg:$0x3] =	wrdreg s6  }
0xb9: {  	[dreg:$0x4] =	wrdreg $0xC0  }
0xba: {  	_ =	task [dreg:s22], $0x5FFFF  }
0xbb: {  	[dreg:$0x1] =	wrdreg $0xFFFFFFFF  }
0xbc: {  	[dreg:$0x0] =	wrdreg $0x60  }
0xbd: {  	[dreg:$0x2] =	wrdreg s18  }
0xbe: {  	[dreg:$0x3] =	wrdreg s24  }
0xbf: {  	[dreg:$0x4] =	wrdreg $0x68000  }
0xc0: {  	[dreg:$0x5] =	wrdreg $0x9  }
0xc1: {  	_ =	task.clear_ibuf [dreg:s22], $0x6FFFF;
	_ =	strace $0x90000049  }
0xc2: {  	s29 =	simm.s32 $0x9;
	_ =	strace $0x8000004B  }
0xc3: {  	_ =	swait.ge [sflag:s29], $0x1  }
0xc4: {  	[sflag:s29] =	ssyncadd.s32 $0xFFFFFFFF  }
0xc5: {  	_ =	strace $0x9000004B  }
0xc6: {  	_ =	sfence  }
0xc7: {  	s30 =	sld [smem:$0x0];
	_ =	sdelay $0x2  }
0xc8: {  	s31 =	sshll.u32 s1, $0xD;
	s1 =	sshrl.u32 s1, $0x2  }
0xc9: {  	s4 =	sand.u32 $0x4000, s31;
	s1 =	sadd.s32 s1, s30  }
0xca: {  	s0 =	sor.u32 s4, s0;
	s1 =	sshll.u32 s1, $0x11  }
0xcb: {  	s0 =	sor.u32 s1, s0  }
0xcc: {  	s0 =	sadd.s32 $0x8F2B, s0  }
0xcd: {  	[sflag:s0] =	ssyncadd.remote.s32 $0x1  }
0xce: {  	_ =	sfence.sel $0xFFFF  }
0xcf: {  	[dreg:$0x0] =	wrdreg $0xFFFFFFFF;
	(pc) =	sbr.abs _section_cstart, $3  }
0xd0: {  	[dreg:$0x1] =	wrdreg $0xFFFFFFFF  }
0xd1: {  	_ =	task.clear_ibuf [dreg:s22], $0x2FFFF;
	_ =	strace $0x9FFFFFFF  }
0xd2: {  	(tm) =	ssettm $0x7FFFFFFF  }
0xd3: {  	_ =	shalt  }
tec
execute0_lowered:
.L_overlay_start_1:
0x0: {  	(tag) =	ssettag $0x1  }
0x1: {  	s6 =	rddreg [dreg:$0x0]  }
0x2: {  	s7 =	rddreg [dreg:$0x1]  }
0x3: {  	s1 =	rddreg [dreg:$0x2];
	s2 =	srdreg.scid  }
0x4: {  	s0 =	rddreg [dreg:$0x3];
	s3 =	simm.s32 $0x0;
	s13 =	simm.s32 $0x50  }
0x5: {  	s14 =	simm.s32 $0x80;
	s15 =	simm.s32 $0x1;
	s16 =	simm.s32 $0x2  }
0x6: {  	s17 =	simm.s32 $0x3E00;
	s8 =	sand.u32 $0x1, s2;
	s2 =	stileid.u32  }
0x7: {  	s18 =	simm.s32 $0x0;
	[smem:$0x7FF] =	sst s3;
	s9 =	smul.u32 $0x13C000, s8  }
0x8: {  	s4 =	sadd.s32 $0x33200, s7;
	s5 =	sadd.s32 $0x84A00, s7;
	s10 =	smul.u32 $0x13C00, s2  }
0x9: {  	_ =	strace $0x8000004A;
	s26 =	ssub.s32 $0x2, s8;
	s12 =	smul.u32 $0x4F000, s2  }
0xa: {  	s29 =	sshll.u32 s2, $0xB;
	s8 =	sshll.u32 s8, $0xF;
	s31 =	sshll.u32 s2, $0x6  }
0xb: {  	s11 =	sshrl.u32 s26, $0x1;
	s6 =	sadd.s32 s6, s29;
	s9 =	sadd.s32 s10, s9  }
0xc: {  	s28 =	ssub.s32 s26, s11;
	s30 =	sshrl.u32 s12, $0x2;
	s6 =	sadd.s32 s8, s6  }
0xd: {  	s10 =	simm.s32 $0x4000;
	s11 =	sor.u32 $0x1C03, s31;
	s9 =	sshrl.u32 s9, $0x3  }
0xe: {  	s12 =	sadd.s32 s30, s1;
	s8 =	smax.u32 s28, $0x1;
	s7 =	sadd.s32 s9, s7  }
0xf: {  	s9 =	simm.s32 $0x3;
	s12 =	sshrl.u32 s12, $0x3;
	s7 =	sadd.s32 $0x85000, s7  }
.LBB2_1:
0x10: {  	[tilespmem:s3], [sflag:$0x3] =	stream.linear.gather [hbm4b:s6+s3], $0x3E80, $0x38;
	[tilespmem:$0x1A400] =	vst v63  }
0x11: {  	_ =	swait.ge [sflag:s9], $0x3E80  }
0x12: {  	[sflag:s9] =	ssyncset.done $0x0  }
0x13: {  	[sflag:s9] =	ssyncadd.s32 $0xFFFFC180  }
0x14: {  	[tilespmem:s10], [sflag:$0x3] =	stream.linear.gather [hbm4b:s5+s3], $0x2800, $0x38;
	[tilespmem:$0x1A400] =	vst v63  }
0x15: {  	_ =	swait.ge [sflag:s9], $0x2800  }
0x16: {  	[sflag:s9] =	ssyncset.done $0x0  }
0x17: {  	[sflag:s9] =	ssyncadd.s32 $0xFFFFD800  }
0x18: {  	[spmem:s12], [sflag:s11] =	dma.local [hbm:s4], $0x2780  }
0x19: {  	_ =	swait.ge [sflag:s9], $0x2780  }
0x1a: {  	[sflag:s9] =	ssyncset.done $0x0  }
0x1b: {  	[sflag:s9] =	ssyncadd.s32 $0xFFFFD880  }
0x1c: {  	[bflag:$0x0] =	sbarrier.arrive $0xFFFF  }
0x1d: {  	[spmem:s1] =	stream.indirect.scatter.add.f32 [tilespmem:s10], [sflag:$0x1], $0x80, s3, s13, $0xb8;
	[tilespmem:$0x1A400] =	vst v63  }
0x1e: {  	_ = 	snop  }
0x1f: {  	[spmem:s1] =	stream.indirect.scatter.add.f32 [tilespmem:s10], [sflag:$0x2], $0x80, s14, s13, $0xb8;
	[tilespmem:$0x1A400] =	vst v63  }
0x20: {  	_ =	swait.ge [sflag:s15], $0x2800  }
0x21: {  	[sflag:s15] =	ssyncset.done $0x0  }
0x22: {  	s19 =	simm.s32 $0x100;
	[sflag:s15] =	ssyncadd.s32 $0xFFFFD800  }
0x23: {  	[spmem:s1] =	stream.indirect.scatter.add.f32 [tilespmem:s10], [sflag:$0x1], $0x80, s19, s13, $0xb8;
	[tilespmem:$0x1A400] =	vst v63  }
0x24: {  	_ =	swait.ge [sflag:s16], $0x2800  }
0x25: {  	[sflag:s16] =	ssyncset.done $0x0  }
0x26: {  	s20 =	simm.s32 $0x180;
	s19 =	simm.s32 $0xFFFF1000;
	[sflag:s16] =	ssyncadd.s32 $0xFFFFD800  }
.LBB2_2:
0x27: {  	[spmem:s1] =	stream.indirect.scatter.add.f32 [tilespmem:s10], [sflag:$0x2], $0x80, s20, s13, $0xb8;
	[tilespmem:$0x1A400] =	vst v63  }
0x28: {  	s20 =	smov.u32 s19  }
0x29: {  	p0 =	sne.s32 s19, $0xFFFFFC00;
	s19 =	sadd.s32 $0x400, s19;
	_ =	swait.ge [sflag:s15], $0x2800  }
0x2a: {  	s20 =	sshra.s32 s20, $0x2;
	[sflag:s15] =	ssyncset.done $0x0  }
.Ltmp0:
0x2b: {  	s21 =	sadd.s32 $0x3E00, s20;
	[sflag:s15] =	ssyncadd.s32 $0xFFFFD800;
	(pc) =	sbr.rel @p0 .LBB2_2-.Ltmp0, $4  }
0x2c: {  	[spmem:s1] =	stream.indirect.scatter.add.f32 [tilespmem:s10], [sflag:$0x1], $0x80, s21, s13, $0xb8;
	[tilespmem:$0x1A400] =	vst v63  }
0x2d: {  	_ =	swait.ge [sflag:s16], $0x2800  }
0x2e: {  	[sflag:s16] =	ssyncset.done $0x0  }
0x2f: {  	s20 =	sadd.s32 $0x3E80, s20;
	[sflag:s16] =	ssyncadd.s32 $0xFFFFD800  }
0x30: {  	[spmem:s1] =	stream.indirect.scatter.add.f32 [tilespmem:s10], [sflag:$0x2], $0x80, s20, s13, $0xb8;
	[tilespmem:$0x1A400] =	vst v63  }
0x31: {  	_ =	swait.ge [sflag:s15], $0x2800  }
0x32: {  	[sflag:s15] =	ssyncset.done $0x0  }
0x33: {  	[sflag:s15] =	ssyncadd.s32 $0xFFFFD800  }
0x34: {  	[spmem:s1] =	stream.indirect.scatter.add.f32 [tilespmem:s10], [sflag:$0x1], $0x80, s17, s13, $0xb8;
	[tilespmem:$0x1A400] =	vst v63  }
0x35: {  	_ =	swait.ge [sflag:s16], $0x2800  }
0x36: {  	[sflag:s16] =	ssyncset.done $0x0  }
0x37: {  	[sflag:s16] =	ssyncadd.s32 $0xFFFFD800  }
0x38: {  	_ =	swait.ge [sflag:s15], $0x2800  }
0x39: {  	s18 =	sadd.s32 $0x1, s18;
	[sflag:s15] =	ssyncset.done $0x0  }
0x3a: {  	p0 =	sne.s32 s18, s8;
	[sflag:s15] =	ssyncadd.s32 $0xFFFFD800  }
.Ltmp1:
0x3b: {  	[bflag:$0x0] =	sbarrier.arrive $0xFFFF;
	(pc) =	sbr.rel @p0 .LBB2_1-.Ltmp1, $4  }
0x3c: {  	[hbm:s7], [sflag:s11] =	dma.local [spmem:s12], $0x2780  }
0x3d: {  	_ =	swait.ge [sflag:s9], $0x2780  }
0x3e: {  	[sflag:s9] =	ssyncset.done $0x0  }
0x3f: {  	[sflag:s9] =	ssyncadd.s32 $0xFFFFD880  }
0x40: {  	_ =	sfence.sel $0x180000  }
0x41: {  	[bflag:$0x0] =	sbarrier.arrive $0xFFFF  }
0x42: {  	p0 =	sne.s32 s2, $0x0;
	_ =	strace $0x9000004A  }
0x43: {  	s0 =	sadd.s32 @!p0 $0x100000, s0;
	[bflag:$0x2] =	sbarrier.arrive $0xFFFF  }
0x44: {  	[sflag:s0] =	ssyncadd.tile.s32 @!p0 $0x1;
	_ =	shalt  }
.Lfunc_end2:
_tile_overlayer_lowered:
.L_overlay_start_2:
0x45: {  	(tag) =	ssettag $0x2  }
0x46: {  	s0 =	rddreg [dreg:$0x0];
	s2 =	stileid.u32  }
0x47: {  	s1 =	rddreg [dreg:$0x1];
	p0 =	sne.s32 s2, $0x0  }
0x48: {  	s3 =	rddreg [dreg:$0x2];
	[bflag:$0x3] =	sbarrier.arrive $0xFFFF;
	s2 =	simm.s32 @!p0 $0x1C03  }
0x49: {  	[timem:s3], [sflag:s2] =	dma.local @!p0 [hbm:s0], s1  }
0x4a: {  	s0 =	simm.s32 @!p0 $0x3  }
0x4b: {  	_ =	swait.ge @!p0 [sflag:s0], s1  }
0x4c: {  	s1 =	ssub.s32 @!p0 $0x0, s1;
	[sflag:s0] =	ssyncset.done @!p0 $0x0  }
0x4d: {  	[sflag:s0] =	ssyncadd.s32 @!p0 s1  }
0x4e: {  	[bflag:$0x3] =	sbarrier.arrive $0xFFFF  }
0x4f: {  	_ =	shalt  }

</sc_bundles>
